<compile_context>
chip_gen: v7x
topology: tpu7x:2x2x1
jax: 0.10.2.dev20260603
libtpu: 0.0.44.dev20260713+nightly
codegen_flags: <defaults>
</compile_context>

<pallas_src>
import functools
import math

import jax
import jax.numpy as jnp
from jax import lax
from jax.experimental import pallas as pl
from jax.experimental.pallas import tpu as pltpu
from jax.experimental.pallas import tpu_sc as plsc

_SPA_EMBED_DIM = 32
_FREQ = 16
_EPS = 5
_MAX_RADIUS = 10000
_NUM_ROWS = (_FREQ + _EPS) ** 2
_BATCH = 16384
_NUM_PT = 50
_B = _BATCH * _NUM_PT

_LOG_DIST_INTERVAL = math.log(float(_MAX_RADIUS + 1) - math.log(1.0)) / (_FREQ * 1.0)
_ANGLE_INTERVAL = math.pi * 2.0 / (_FREQ * 1.0)

_IDX_COLS = 2048

_NC, _NS = 2, 16
_NW = _NC * _NS
_BCOL = _BATCH // _NW
_NGB = _BCOL // 16


def _idx_body(x_ref, y_ref, idx_ref):
    x = x_ref[...]
    y = y_ref[...]
    dist = jnp.log(jnp.sqrt(x * x + y * y) + 1.0)
    row = jnp.floor(dist / _LOG_DIST_INTERVAL)
    angle = jnp.arctan2(y, x) + math.pi
    col = jnp.floor(angle / _ANGLE_INTERVAL)
    idx = (row * _FREQ + col).astype(jnp.int32)
    idx_ref[...] = jnp.clip(idx, 0, _NUM_ROWS - 1)


def _compute_idx(x2d, y2d):
    return pl.pallas_call(
        _idx_body,
        grid=(_BATCH // _IDX_COLS,),
        in_specs=[
            pl.BlockSpec((_NUM_PT, _IDX_COLS), lambda i: (0, i)),
            pl.BlockSpec((_NUM_PT, _IDX_COLS), lambda i: (0, i)),
        ],
        out_specs=pl.BlockSpec((_NUM_PT, _IDX_COLS), lambda i: (0, i)),
        out_shape=jax.ShapeDtypeStruct((_NUM_PT, _BATCH), jnp.int32),
    )(x2d, y2d)


def _gather_body(
    table_hbm, idx_hbm, out_hbm, table_v, ib0, ib1, buf0, buf1, is0, is1, os0, os1
):
    wid = lax.axis_index("s") * _NC + lax.axis_index("c")
    colbase = wid * _BCOL
    ibufs = (ib0, ib1)
    bufs = (buf0, buf1)
    iss = (is0, is1)
    os = (os0, os1)

    pltpu.sync_copy(table_hbm, table_v)

    lane = lax.iota(jnp.int32, 16)

    def i_desc(p, b):
        return pltpu.make_async_copy(
            idx_hbm.at[p, pl.ds(colbase, _BCOL)], ibufs[b], iss[b]
        )

    def o_desc(p, b):
        return pltpu.make_async_copy(
            bufs[b],
            out_hbm.at[pl.ds(p * _SPA_EMBED_DIM, _SPA_EMBED_DIM), pl.ds(colbase, _BCOL)],
            os[b],
        )

    def fill_panel(b):
        def group(g, carry):
            goff = g * 16 + lane
            v32 = ibufs[b][pl.ds(g * 16, 16)] * _SPA_EMBED_DIM
            for j in range(_SPA_EMBED_DIM // 8):
                cols = [
                    (lane + j + k * (_SPA_EMBED_DIM // 8)) & (_SPA_EMBED_DIM - 1)
                    for k in range(8)
                ]
                vals = [plsc.load_gather(table_v, [v32 + c]) for c in cols]
                for c, val in zip(cols, vals):
                    plsc.store_scatter(bufs[b], [c, goff], val)
            return carry

        lax.fori_loop(0, _NGB, group, 0)

    i_desc(0, 0).start()
    i_desc(1, 1).start()

    def outer(ph, carry):
        for k in (0, 1):
            p = ph * 2 + k
            i_desc(p, k).wait()

            @pl.when(ph > 0)
            def _():
                o_desc(p - 2, k).wait()

            fill_panel(k)
            o_desc(p, k).start()

            @pl.when(p + 2 < _NUM_PT)
            def _():
                i_desc(p + 2, k).start()

        return carry

    lax.fori_loop(0, _NUM_PT // 2, outer, 0)
    o_desc(_NUM_PT - 2, 0).wait()
    o_desc(_NUM_PT - 1, 1).wait()


@functools.cache
def _sc_gather():
    return pl.kernel(
        _gather_body,
        mesh=plsc.VectorSubcoreMesh(core_axis_name="c", subcore_axis_name="s"),
        out_type=jax.ShapeDtypeStruct(
            (_NUM_PT * _SPA_EMBED_DIM, _BATCH), jnp.float32
        ),
        scratch_types=[
            pltpu.VMEM((_NUM_ROWS * _SPA_EMBED_DIM,), jnp.float32),
            pltpu.VMEM((_BCOL,), jnp.int32),
            pltpu.VMEM((_BCOL,), jnp.int32),
            pltpu.VMEM((_SPA_EMBED_DIM, _BCOL), jnp.float32),
            pltpu.VMEM((_SPA_EMBED_DIM, _BCOL), jnp.float32),
            pltpu.SemaphoreType.DMA,
            pltpu.SemaphoreType.DMA,
            pltpu.SemaphoreType.DMA,
            pltpu.SemaphoreType.DMA,
        ],
        compiler_params=pltpu.CompilerParams(needs_layout_passes=False),
    )


def kernel(coords, table):
    ct = coords.transpose(1, 2, 0)
    x2d = ct[:, 0, :]
    y2d = ct[:, 1, :]
    idx_t = _compute_idx(x2d, y2d)
    panels = _sc_gather()(table.reshape(_NUM_ROWS * _SPA_EMBED_DIM), idx_t)
    return panels.reshape(_NUM_PT, _SPA_EMBED_DIM, _BATCH).transpose(2, 0, 1)

# --- scband reference (transcript-rebuilt; emitter-appended) ---
"""Pipeline reference for scband-polar-grid-lookup-spatial-relation-encoder-40484361732539 (READ-ONLY COPY).

The authoritative reference and input builder live on the scoring server;
editing this copy changes nothing except your own understanding.
"""

import jax, jax.numpy as jnp
import numpy as np
import math

SPA_EMBED_DIM = 32
FREQ = 16
EPS = 5
MAX_RADIUS = 10000
BATCH = 16384
NUM_PT = 50


def setup_inputs(seed: int = 0) -> dict:
    key = jax.random.key(seed)
    k1, k2 = jax.random.split(key)
    coords = jax.random.normal(k1, (BATCH, NUM_PT, 2), dtype=jnp.float32)
    num_rows = (FREQ + EPS) ** 2
    table = jax.random.normal(k2, (num_rows, SPA_EMBED_DIM), dtype=jnp.float32) * (1.0 / SPA_EMBED_DIM)
    return {"coords": coords, "table": table}


def reference(coords, table):
    # Faithful translation of PolarGridLookupSpatialRelationEncoder.forward
    log_dist_interval = math.log(float(MAX_RADIUS + 1) - math.log(1.0)) / (FREQ * 1.0)
    angle_interval = math.pi * 2.0 / (FREQ * 1.0)
    dist = jnp.log(jnp.sqrt(jnp.sum(jnp.power(coords, 2), axis=-1)) + 1.0)
    row = jnp.floor(dist / log_dist_interval)
    x = coords[:, :, 0]
    y = coords[:, :, 1]
    angle = jnp.arctan2(y, x) + math.pi
    col = jnp.floor(angle / angle_interval)
    idx = (row * FREQ + col).astype(jnp.int32)
    spr_embeds = jnp.take(table, idx, axis=0)
    return spr_embeds

if __name__ == "__main__":
    import jax
    _d = setup_inputs()
    print(jax.jit(kernel)(*tuple(_d.values())))

</pallas_src>

<mosaic_0001>
#map = affine_map<(d0, d1) -> (0)>
#map1 = affine_map<(d0, d1) -> (0, 0)>
module attributes {stable_mosaic.version = 14 : i64} {
  func.func @_gather_body(%arg0: i32, %arg1: i32, %arg2: memref<14112xf32, #tpu.memory_space<hbm>>, %arg3: memref<50x16384xi32, #tpu.memory_space<hbm>>, %arg4: memref<1600x16384xf32, #tpu.memory_space<hbm>>, %arg5: memref<14112xf32, #tpu.memory_space<vmem>>, %arg6: memref<512xi32, #tpu.memory_space<vmem>>, %arg7: memref<512xi32, #tpu.memory_space<vmem>>, %arg8: memref<32x512xf32, #tpu.memory_space<vmem>>, %arg9: memref<32x512xf32, #tpu.memory_space<vmem>>, %arg10: memref<!tpu.dma_semaphore, #tpu.memory_space<semaphore_mem>>, %arg11: memref<!tpu.dma_semaphore, #tpu.memory_space<semaphore_mem>>, %arg12: memref<!tpu.dma_semaphore, #tpu.memory_space<semaphore_mem>>, %arg13: memref<!tpu.dma_semaphore, #tpu.memory_space<semaphore_mem>>) attributes {dimension_semantics = [#tpu.dimension_semantics<core_parallel>, #tpu.dimension_semantics<subcore_parallel>], iteration_bounds = array<i64: 2, 16>, scalar_prefetch = 0 : i64, scratch_operands = 9 : i64, tpu.core_type = #tpu.core_type<sc_vector_subcore>, window_params = [{transform_indices = #map}, {transform_indices = #map1}, {transform_indices = #map1}]} {
    %mul3A = arith.constant 2 : i32
    %mul3A_0 = arith.muli %arg1, %mul3A : i32
    %add3A = arith.addi %mul3A_0, %arg0 : i32
    %mul3A_1 = arith.constant 512 : i32
    %mul3A_2 = arith.muli %add3A, %mul3A_1 : i32
    "tpu.region"() ({
      %run_scoped3A = tpu.sem_alloc : memref<!tpu.dma_semaphore, #tpu.memory_space<semaphore_mem>>
      tpu.enqueue_dma source(%arg2 : memref<14112xf32, #tpu.memory_space<hbm>>) target(%arg5 : memref<14112xf32, #tpu.memory_space<vmem>>) target_semaphore(%run_scoped3A : memref<!tpu.dma_semaphore, #tpu.memory_space<semaphore_mem>>)
      tpu.wait_dma2 semaphore(%run_scoped3A : memref<!tpu.dma_semaphore, #tpu.memory_space<semaphore_mem>>) src(%arg2 : memref<14112xf32, #tpu.memory_space<hbm>>) dst(%arg5 : memref<14112xf32, #tpu.memory_space<vmem>>)
      tpu.yield
    }) : () -> ()
    %iota3A = tpu.iota {dimensions = array<i32: 0>} : vector<16xi32>
    %dma_start3A = arith.constant 0 : i32
    %dma_start3A_3 = tpu.memref_slice %arg3[%dma_start3A, %mul3A_2] : memref<50x16384xi32, #tpu.memory_space<hbm>> -> memref<1x512xi32, #tpu.memory_space<hbm>>
    %dma_start3A_4 = tpu.memref_squeeze %dma_start3A_3 : memref<1x512xi32, #tpu.memory_space<hbm>> -> memref<512xi32, #tpu.memory_space<hbm>>
    %dma_start3A_5 = tpu.memref_slice %arg3[%dma_start3A, %mul3A_2] : memref<50x16384xi32, #tpu.memory_space<hbm>> -> memref<1x512xi32, #tpu.memory_space<hbm>>
    %dma_start3A_6 = tpu.memref_squeeze %dma_start3A_5 : memref<1x512xi32, #tpu.memory_space<hbm>> -> memref<512xi32, #tpu.memory_space<hbm>>
    tpu.enqueue_dma source(%dma_start3A_6 : memref<512xi32, #tpu.memory_space<hbm>>) target(%arg6 : memref<512xi32, #tpu.memory_space<vmem>>) target_semaphore(%arg10 : memref<!tpu.dma_semaphore, #tpu.memory_space<semaphore_mem>>)
    %dma_start3A_7 = arith.constant 1 : i32
    %dma_start3A_8 = tpu.memref_slice %arg3[%dma_start3A_7, %mul3A_2] : memref<50x16384xi32, #tpu.memory_space<hbm>> -> memref<1x512xi32, #tpu.memory_space<hbm>>
    %dma_start3A_9 = tpu.memref_squeeze %dma_start3A_8 : memref<1x512xi32, #tpu.memory_space<hbm>> -> memref<512xi32, #tpu.memory_space<hbm>>
    %dma_start3A_10 = tpu.memref_slice %arg3[%dma_start3A_7, %mul3A_2] : memref<50x16384xi32, #tpu.memory_space<hbm>> -> memref<1x512xi32, #tpu.memory_space<hbm>>
    %dma_start3A_11 = tpu.memref_squeeze %dma_start3A_10 : memref<1x512xi32, #tpu.memory_space<hbm>> -> memref<512xi32, #tpu.memory_space<hbm>>
    tpu.enqueue_dma source(%dma_start3A_11 : memref<512xi32, #tpu.memory_space<hbm>>) target(%arg7 : memref<512xi32, #tpu.memory_space<vmem>>) target_semaphore(%arg11 : memref<!tpu.dma_semaphore, #tpu.memory_space<semaphore_mem>>)
    %scan3A = arith.constant 0 : i32
    %scan3A_12 = arith.constant 0 : i32
    %scan3A_13 = arith.constant 25 : i32
    %scan3A_14 = arith.addi %scan3A_12, %scan3A_13 : i32
    %scan3A_15 = arith.constant 1 : i32
    scf.for %scan3A_24 = %scan3A_12 to %scan3A_14 step %scan3A_15  : i32 {
      %mul3A_25 = arith.constant 2 : i32
      %mul3A_26 = arith.muli %scan3A_24, %mul3A_25 : i32
      %add3A_27 = arith.constant 0 : i32
      %add3A_28 = arith.addi %mul3A_26, %add3A_27 : i32
      %dma_wait3A_29 = tpu.memref_slice %arg3[%add3A_28, %mul3A_2] : memref<50x16384xi32, #tpu.memory_space<hbm>> -> memref<1x512xi32, #tpu.memory_space<hbm>>
      %dma_wait3A_30 = tpu.memref_squeeze %dma_wait3A_29 : memref<1x512xi32, #tpu.memory_space<hbm>> -> memref<512xi32, #tpu.memory_space<hbm>>
      %dma_wait3A_31 = tpu.memref_slice %arg3[%add3A_28, %mul3A_2] : memref<50x16384xi32, #tpu.memory_space<hbm>> -> memref<1x512xi32, #tpu.memory_space<hbm>>
      %dma_wait3A_32 = tpu.memref_squeeze %dma_wait3A_31 : memref<1x512xi32, #tpu.memory_space<hbm>> -> memref<512xi32, #tpu.memory_space<hbm>>
      tpu.wait_dma2 semaphore(%arg10 : memref<!tpu.dma_semaphore, #tpu.memory_space<semaphore_mem>>) src(%dma_wait3A_32 : memref<512xi32, #tpu.memory_space<hbm>>) dst(%arg6 : memref<512xi32, #tpu.memory_space<vmem>>)
      %gt3A = arith.constant 0 : i32
      %gt3A_33 = arith.cmpi sgt, %scan3A_24, %gt3A : i32
      %convert_element_type3A = arith.extui %gt3A_33 : i1 to i32
      %cond3A = arith.constant 0 : i32
      %cond3A_34 = arith.cmpi ne, %convert_element_type3A, %cond3A : i32
      scf.if %cond3A_34 {
        %sub3A = arith.constant 2 : i32
        %sub3A_81 = arith.subi %add3A_28, %sub3A : i32
        %mul3A_82 = arith.constant 32 : i32
        %mul3A_83 = arith.muli %sub3A_81, %mul3A_82 : i32
        %dma_wait3A_84 = tpu.memref_slice %arg4[%mul3A_83, %mul3A_2] : memref<1600x16384xf32, #tpu.memory_space<hbm>> -> memref<32x512xf32, #tpu.memory_space<hbm>>
        %dma_wait3A_85 = tpu.memref_slice %arg4[%mul3A_83, %mul3A_2] : memref<1600x16384xf32, #tpu.memory_space<hbm>> -> memref<32x512xf32, #tpu.memory_space<hbm>>
        tpu.wait_dma2 semaphore(%arg12 : memref<!tpu.dma_semaphore, #tpu.memory_space<semaphore_mem>>) src(%arg8 : memref<32x512xf32, #tpu.memory_space<vmem>>) dst(%dma_wait3A_85 : memref<32x512xf32, #tpu.memory_space<hbm>>)
      } else {
      }
      %scan3A_35 = arith.constant 0 : i32
      %scan3A_36 = arith.constant 0 : i32
      %scan3A_37 = arith.constant 32 : i32
      %scan3A_38 = arith.addi %scan3A_36, %scan3A_37 : i32
      %scan3A_39 = arith.constant 1 : i32
      scf.for %scan3A_81 = %scan3A_36 to %scan3A_38 step %scan3A_39  : i32 {
        %mul3A_82 = arith.constant 16 : i32
        %mul3A_83 = arith.muli %scan3A_81, %mul3A_82 : i32
        %add3A_84 = vector.broadcast %mul3A_83 : i32 to vector<16xi32>
        %add3A_85 = arith.addi %add3A_84, %iota3A : vector<16xi32>
        %mul3A_86 = arith.constant 16 : i32
        %mul3A_87 = arith.muli %scan3A_81, %mul3A_86 : i32
        %get3A = arith.index_cast %mul3A_87 : i32 to index
        %get3A_88 = tpu.vector_load %arg6[%get3A] {strides = array<i32>} : memref<512xi32, #tpu.memory_space<vmem>>, vector<16xi32>,
        %mul3A_89 = arith.constant 32 : i32
        %mul3A_90 = vector.broadcast %mul3A_89 : i32 to vector<16xi32>
        %mul3A_91 = arith.muli %get3A_88, %mul3A_90 : vector<16xi32>
        %add3A_92 = arith.constant 0 : i32
        %add3A_93 = vector.broadcast %add3A_92 : i32 to vector<16xi32>
        %add3A_94 = arith.addi %iota3A, %add3A_93 : vector<16xi32>
        %add3A_95 = arith.constant 0 : i32
        %add3A_96 = vector.broadcast %add3A_95 : i32 to vector<16xi32>
        %add3A_97 = arith.addi %add3A_94, %add3A_96 : vector<16xi32>
        %and3A = arith.constant 31 : i32
        %and3A_98 = vector.broadcast %and3A : i32 to vector<16xi32>
        %and3A_99 = arith.andi %add3A_97, %and3A_98 : vector<16xi32>
        %add3A_100 = arith.constant 0 : i32
        %add3A_101 = vector.broadcast %add3A_100 : i32 to vector<16xi32>
        %add3A_102 = arith.addi %iota3A, %add3A_101 : vector<16xi32>
        %add3A_103 = arith.constant 4 : i32
        %add3A_104 = vector.broadcast %add3A_103 : i32 to vector<16xi32>
        %add3A_105 = arith.addi %add3A_102, %add3A_104 : vector<16xi32>
        %and3A_106 = arith.constant 31 : i32
        %and3A_107 = vector.broadcast %and3A_106 : i32 to vector<16xi32>
        %and3A_108 = arith.andi %add3A_105, %and3A_107 : vector<16xi32>
        %add3A_109 = arith.constant 0 : i32
        %add3A_110 = vector.broadcast %add3A_109 : i32 to vector<16xi32>
        %add3A_111 = arith.addi %iota3A, %add3A_110 : vector<16xi32>
        %add3A_112 = arith.constant 8 : i32
        %add3A_113 = vector.broadcast %add3A_112 : i32 to vector<16xi32>
        %add3A_114 = arith.addi %add3A_111, %add3A_113 : vector<16xi32>
        %and3A_115 = arith.constant 31 : i32
        %and3A_116 = vector.broadcast %and3A_115 : i32 to vector<16xi32>
        %and3A_117 = arith.andi %add3A_114, %and3A_116 : vector<16xi32>
        %add3A_118 = arith.constant 0 : i32
        %add3A_119 = vector.broadcast %add3A_118 : i32 to vector<16xi32>
        %add3A_120 = arith.addi %iota3A, %add3A_119 : vector<16xi32>
        %add3A_121 = arith.constant 12 : i32
        %add3A_122 = vector.broadcast %add3A_121 : i32 to vector<16xi32>
        %add3A_123 = arith.addi %add3A_120, %add3A_122 : vector<16xi32>
        %and3A_124 = arith.constant 31 : i32
        %and3A_125 = vector.broadcast %and3A_124 : i32 to vector<16xi32>
        %and3A_126 = arith.andi %add3A_123, %and3A_125 : vector<16xi32>
        %add3A_127 = arith.constant 0 : i32
        %add3A_128 = vector.broadcast %add3A_127 : i32 to vector<16xi32>
        %add3A_129 = arith.addi %iota3A, %add3A_128 : vector<16xi32>
        %add3A_130 = arith.constant 16 : i32
        %add3A_131 = vector.broadcast %add3A_130 : i32 to vector<16xi32>
        %add3A_132 = arith.addi %add3A_129, %add3A_131 : vector<16xi32>
        %and3A_133 = arith.constant 31 : i32
        %and3A_134 = vector.broadcast %and3A_133 : i32 to vector<16xi32>
        %and3A_135 = arith.andi %add3A_132, %and3A_134 : vector<16xi32>
        %add3A_136 = arith.constant 0 : i32
        %add3A_137 = vector.broadcast %add3A_136 : i32 to vector<16xi32>
        %add3A_138 = arith.addi %iota3A, %add3A_137 : vector<16xi32>
        %add3A_139 = arith.constant 20 : i32
        %add3A_140 = vector.broadcast %add3A_139 : i32 to vector<16xi32>
        %add3A_141 = arith.addi %add3A_138, %add3A_140 : vector<16xi32>
        %and3A_142 = arith.constant 31 : i32
        %and3A_143 = vector.broadcast %and3A_142 : i32 to vector<16xi32>
        %and3A_144 = arith.andi %add3A_141, %and3A_143 : vector<16xi32>
        %add3A_145 = arith.constant 0 : i32
        %add3A_146 = vector.broadcast %add3A_145 : i32 to vector<16xi32>
        %add3A_147 = arith.addi %iota3A, %add3A_146 : vector<16xi32>
        %add3A_148 = arith.constant 24 : i32
        %add3A_149 = vector.broadcast %add3A_148 : i32 to vector<16xi32>
        %add3A_150 = arith.addi %add3A_147, %add3A_149 : vector<16xi32>
        %and3A_151 = arith.constant 31 : i32
        %and3A_152 = vector.broadcast %and3A_151 : i32 to vector<16xi32>
        %and3A_153 = arith.andi %add3A_150, %and3A_152 : vector<16xi32>
        %add3A_154 = arith.constant 0 : i32
        %add3A_155 = vector.broadcast %add3A_154 : i32 to vector<16xi32>
        %add3A_156 = arith.addi %iota3A, %add3A_155 : vector<16xi32>
        %add3A_157 = arith.constant 28 : i32
        %add3A_158 = vector.broadcast %add3A_157 : i32 to vector<16xi32>
        %add3A_159 = arith.addi %add3A_156, %add3A_158 : vector<16xi32>
        %and3A_160 = arith.constant 31 : i32
        %and3A_161 = vector.broadcast %and3A_160 : i32 to vector<16xi32>
        %and3A_162 = arith.andi %add3A_159, %and3A_161 : vector<16xi32>
        %add3A_163 = arith.addi %mul3A_91, %and3A_99 : vector<16xi32>
        %gather3A = tpu.vector_load_idx %arg5[%add3A_163] : memref<14112xf32, #tpu.memory_space<vmem>>[vector<16xi32>], vector<16xf32>,
        %add3A_164 = arith.addi %mul3A_91, %and3A_108 : vector<16xi32>
        %gather3A_165 = tpu.vector_load_idx %arg5[%add3A_164] : memref<14112xf32, #tpu.memory_space<vmem>>[vector<16xi32>], vector<16xf32>,
        %add3A_166 = arith.addi %mul3A_91, %and3A_117 : vector<16xi32>
        %gather3A_167 = tpu.vector_load_idx %arg5[%add3A_166] : memref<14112xf32, #tpu.memory_space<vmem>>[vector<16xi32>], vector<16xf32>,
        %add3A_168 = arith.addi %mul3A_91, %and3A_126 : vector<16xi32>
        %gather3A_169 = tpu.vector_load_idx %arg5[%add3A_168] : memref<14112xf32, #tpu.memory_space<vmem>>[vector<16xi32>], vector<16xf32>,
        %add3A_170 = arith.addi %mul3A_91, %and3A_135 : vector<16xi32>
        %gather3A_171 = tpu.vector_load_idx %arg5[%add3A_170] : memref<14112xf32, #tpu.memory_space<vmem>>[vector<16xi32>], vector<16xf32>,
        %add3A_172 = arith.addi %mul3A_91, %and3A_144 : vector<16xi32>
        %gather3A_173 = tpu.vector_load_idx %arg5[%add3A_172] : memref<14112xf32, #tpu.memory_space<vmem>>[vector<16xi32>], vector<16xf32>,
        %add3A_174 = arith.addi %mul3A_91, %and3A_153 : vector<16xi32>
        %gather3A_175 = tpu.vector_load_idx %arg5[%add3A_174] : memref<14112xf32, #tpu.memory_space<vmem>>[vector<16xi32>], vector<16xf32>,
        %add3A_176 = arith.addi %mul3A_91, %and3A_162 : vector<16xi32>
        %gather3A_177 = tpu.vector_load_idx %arg5[%add3A_176] : memref<14112xf32, #tpu.memory_space<vmem>>[vector<16xi32>], vector<16xf32>,
        tpu.vector_store_idx %arg8[%and3A_99, %add3A_85], %gather3A : memref<32x512xf32, #tpu.memory_space<vmem>>[vector<16xi32>, vector<16xi32>], vector<16xf32>,
        tpu.vector_store_idx %arg8[%and3A_108, %add3A_85], %gather3A_165 : memref<32x512xf32, #tpu.memory_space<vmem>>[vector<16xi32>, vector<16xi32>], vector<16xf32>,
        tpu.vector_store_idx %arg8[%and3A_117, %add3A_85], %gather3A_167 : memref<32x512xf32, #tpu.memory_space<vmem>>[vector<16xi32>, vector<16xi32>], vector<16xf32>,
        tpu.vector_store_idx %arg8[%and3A_126, %add3A_85], %gather3A_169 : memref<32x512xf32, #tpu.memory_space<vmem>>[vector<16xi32>, vector<16xi32>], vector<16xf32>,
        tpu.vector_store_idx %arg8[%and3A_135, %add3A_85], %gather3A_171 : memref<32x512xf32, #tpu.memory_space<vmem>>[vector<16xi32>, vector<16xi32>], vector<16xf32>,
        tpu.vector_store_idx %arg8[%and3A_144, %add3A_85], %gather3A_173 : memref<32x512xf32, #tpu.memory_space<vmem>>[vector<16xi32>, vector<16xi32>], vector<16xf32>,
        tpu.vector_store_idx %arg8[%and3A_153, %add3A_85], %gather3A_175 : memref<32x512xf32, #tpu.memory_space<vmem>>[vector<16xi32>, vector<16xi32>], vector<16xf32>,
        tpu.vector_store_idx %arg8[%and3A_162, %add3A_85], %gather3A_177 : memref<32x512xf32, #tpu.memory_space<vmem>>[vector<16xi32>, vector<16xi32>], vector<16xf32>,
        %add3A_178 = arith.constant 1 : i32
        %add3A_179 = vector.broadcast %add3A_178 : i32 to vector<16xi32>
        %add3A_180 = arith.addi %iota3A, %add3A_179 : vector<16xi32>
        %add3A_181 = arith.constant 0 : i32
        %add3A_182 = vector.broadcast %add3A_181 : i32 to vector<16xi32>
        %add3A_183 = arith.addi %add3A_180, %add3A_182 : vector<16xi32>
        %and3A_184 = arith.constant 31 : i32
        %and3A_185 = vector.broadcast %and3A_184 : i32 to vector<16xi32>
        %and3A_186 = arith.andi %add3A_183, %and3A_185 : vector<16xi32>
        %add3A_187 = arith.constant 1 : i32
        %add3A_188 = vector.broadcast %add3A_187 : i32 to vector<16xi32>
        %add3A_189 = arith.addi %iota3A, %add3A_188 : vector<16xi32>
        %add3A_190 = arith.constant 4 : i32
        %add3A_191 = vector.broadcast %add3A_190 : i32 to vector<16xi32>
        %add3A_192 = arith.addi %add3A_189, %add3A_191 : vector<16xi32>
        %and3A_193 = arith.constant 31 : i32
        %and3A_194 = vector.broadcast %and3A_193 : i32 to vector<16xi32>
        %and3A_195 = arith.andi %add3A_192, %and3A_194 : vector<16xi32>
        %add3A_196 = arith.constant 1 : i32
        %add3A_197 = vector.broadcast %add3A_196 : i32 to vector<16xi32>
        %add3A_198 = arith.addi %iota3A, %add3A_197 : vector<16xi32>
        %add3A_199 = arith.constant 8 : i32
        %add3A_200 = vector.broadcast %add3A_199 : i32 to vector<16xi32>
        %add3A_201 = arith.addi %add3A_198, %add3A_200 : vector<16xi32>
        %and3A_202 = arith.constant 31 : i32
        %and3A_203 = vector.broadcast %and3A_202 : i32 to vector<16xi32>
        %and3A_204 = arith.andi %add3A_201, %and3A_203 : vector<16xi32>
        %add3A_205 = arith.constant 1 : i32
        %add3A_206 = vector.broadcast %add3A_205 : i32 to vector<16xi32>
        %add3A_207 = arith.addi %iota3A, %add3A_206 : vector<16xi32>
        %add3A_208 = arith.constant 12 : i32
        %add3A_209 = vector.broadcast %add3A_208 : i32 to vector<16xi32>
        %add3A_210 = arith.addi %add3A_207, %add3A_209 : vector<16xi32>
        %and3A_211 = arith.constant 31 : i32
        %and3A_212 = vector.broadcast %and3A_211 : i32 to vector<16xi32>
        %and3A_213 = arith.andi %add3A_210, %and3A_212 : vector<16xi32>
        %add3A_214 = arith.constant 1 : i32
        %add3A_215 = vector.broadcast %add3A_214 : i32 to vector<16xi32>
        %add3A_216 = arith.addi %iota3A, %add3A_215 : vector<16xi32>
        %add3A_217 = arith.constant 16 : i32
        %add3A_218 = vector.broadcast %add3A_217 : i32 to vector<16xi32>
        %add3A_219 = arith.addi %add3A_216, %add3A_218 : vector<16xi32>
        %and3A_220 = arith.constant 31 : i32
        %and3A_221 = vector.broadcast %and3A_220 : i32 to vector<16xi32>
        %and3A_222 = arith.andi %add3A_219, %and3A_221 : vector<16xi32>
        %add3A_223 = arith.constant 1 : i32
        %add3A_224 = vector.broadcast %add3A_223 : i32 to vector<16xi32>
        %add3A_225 = arith.addi %iota3A, %add3A_224 : vector<16xi32>
        %add3A_226 = arith.constant 20 : i32
        %add3A_227 = vector.broadcast %add3A_226 : i32 to vector<16xi32>
        %add3A_228 = arith.addi %add3A_225, %add3A_227 : vector<16xi32>
        %and3A_229 = arith.constant 31 : i32
        %and3A_230 = vector.broadcast %and3A_229 : i32 to vector<16xi32>
        %and3A_231 = arith.andi %add3A_228, %and3A_230 : vector<16xi32>
        %add3A_232 = arith.constant 1 : i32
        %add3A_233 = vector.broadcast %add3A_232 : i32 to vector<16xi32>
        %add3A_234 = arith.addi %iota3A, %add3A_233 : vector<16xi32>
        %add3A_235 = arith.constant 24 : i32
        %add3A_236 = vector.broadcast %add3A_235 : i32 to vector<16xi32>
        %add3A_237 = arith.addi %add3A_234, %add3A_236 : vector<16xi32>
        %and3A_238 = arith.constant 31 : i32
        %and3A_239 = vector.broadcast %and3A_238 : i32 to vector<16xi32>
        %and3A_240 = arith.andi %add3A_237, %and3A_239 : vector<16xi32>
        %add3A_241 = arith.constant 1 : i32
        %add3A_242 = vector.broadcast %add3A_241 : i32 to vector<16xi32>
        %add3A_243 = arith.addi %iota3A, %add3A_242 : vector<16xi32>
        %add3A_244 = arith.constant 28 : i32
        %add3A_245 = vector.broadcast %add3A_244 : i32 to vector<16xi32>
        %add3A_246 = arith.addi %add3A_243, %add3A_245 : vector<16xi32>
        %and3A_247 = arith.constant 31 : i32
        %and3A_248 = vector.broadcast %and3A_247 : i32 to vector<16xi32>
        %and3A_249 = arith.andi %add3A_246, %and3A_248 : vector<16xi32>
        %add3A_250 = arith.addi %mul3A_91, %and3A_186 : vector<16xi32>
        %gather3A_251 = tpu.vector_load_idx %arg5[%add3A_250] : memref<14112xf32, #tpu.memory_space<vmem>>[vector<16xi32>], vector<16xf32>,
        %add3A_252 = arith.addi %mul3A_91, %and3A_195 : vector<16xi32>
        %gather3A_253 = tpu.vector_load_idx %arg5[%add3A_252] : memref<14112xf32, #tpu.memory_space<vmem>>[vector<16xi32>], vector<16xf32>,
        %add3A_254 = arith.addi %mul3A_91, %and3A_204 : vector<16xi32>
        %gather3A_255 = tpu.vector_load_idx %arg5[%add3A_254] : memref<14112xf32, #tpu.memory_space<vmem>>[vector<16xi32>], vector<16xf32>,
        %add3A_256 = arith.addi %mul3A_91, %and3A_213 : vector<16xi32>
        %gather3A_257 = tpu.vector_load_idx %arg5[%add3A_256] : memref<14112xf32, #tpu.memory_space<vmem>>[vector<16xi32>], vector<16xf32>,
        %add3A_258 = arith.addi %mul3A_91, %and3A_222 : vector<16xi32>
        %gather3A_259 = tpu.vector_load_idx %arg5[%add3A_258] : memref<14112xf32, #tpu.memory_space<vmem>>[vector<16xi32>], vector<16xf32>,
        %add3A_260 = arith.addi %mul3A_91, %and3A_231 : vector<16xi32>
        %gather3A_261 = tpu.vector_load_idx %arg5[%add3A_260] : memref<14112xf32, #tpu.memory_space<vmem>>[vector<16xi32>], vector<16xf32>,
        %add3A_262 = arith.addi %mul3A_91, %and3A_240 : vector<16xi32>
        %gather3A_263 = tpu.vector_load_idx %arg5[%add3A_262] : memref<14112xf32, #tpu.memory_space<vmem>>[vector<16xi32>], vector<16xf32>,
        %add3A_264 = arith.addi %mul3A_91, %and3A_249 : vector<16xi32>
        %gather3A_265 = tpu.vector_load_idx %arg5[%add3A_264] : memref<14112xf32, #tpu.memory_space<vmem>>[vector<16xi32>], vector<16xf32>,
        tpu.vector_store_idx %arg8[%and3A_186, %add3A_85], %gather3A_251 : memref<32x512xf32, #tpu.memory_space<vmem>>[vector<16xi32>, vector<16xi32>], vector<16xf32>,
        tpu.vector_store_idx %arg8[%and3A_195, %add3A_85], %gather3A_253 : memref<32x512xf32, #tpu.memory_space<vmem>>[vector<16xi32>, vector<16xi32>], vector<16xf32>,
        tpu.vector_store_idx %arg8[%and3A_204, %add3A_85], %gather3A_255 : memref<32x512xf32, #tpu.memory_space<vmem>>[vector<16xi32>, vector<16xi32>], vector<16xf32>,
        tpu.vector_store_idx %arg8[%and3A_213, %add3A_85], %gather3A_257 : memref<32x512xf32, #tpu.memory_space<vmem>>[vector<16xi32>, vector<16xi32>], vector<16xf32>,
        tpu.vector_store_idx %arg8[%and3A_222, %add3A_85], %gather3A_259 : memref<32x512xf32, #tpu.memory_space<vmem>>[vector<16xi32>, vector<16xi32>], vector<16xf32>,
        tpu.vector_store_idx %arg8[%and3A_231, %add3A_85], %gather3A_261 : memref<32x512xf32, #tpu.memory_space<vmem>>[vector<16xi32>, vector<16xi32>], vector<16xf32>,
        tpu.vector_store_idx %arg8[%and3A_240, %add3A_85], %gather3A_263 : memref<32x512xf32, #tpu.memory_space<vmem>>[vector<16xi32>, vector<16xi32>], vector<16xf32>,
        tpu.vector_store_idx %arg8[%and3A_249, %add3A_85], %gather3A_265 : memref<32x512xf32, #tpu.memory_space<vmem>>[vector<16xi32>, vector<16xi32>], vector<16xf32>,
        %add3A_266 = arith.constant 2 : i32
        %add3A_267 = vector.broadcast %add3A_266 : i32 to vector<16xi32>
        %add3A_268 = arith.addi %iota3A, %add3A_267 : vector<16xi32>
        %add3A_269 = arith.constant 0 : i32
        %add3A_270 = vector.broadcast %add3A_269 : i32 to vector<16xi32>
        %add3A_271 = arith.addi %add3A_268, %add3A_270 : vector<16xi32>
        %and3A_272 = arith.constant 31 : i32
        %and3A_273 = vector.broadcast %and3A_272 : i32 to vector<16xi32>
        %and3A_274 = arith.andi %add3A_271, %and3A_273 : vector<16xi32>
        %add3A_275 = arith.constant 2 : i32
        %add3A_276 = vector.broadcast %add3A_275 : i32 to vector<16xi32>
        %add3A_277 = arith.addi %iota3A, %add3A_276 : vector<16xi32>
        %add3A_278 = arith.constant 4 : i32
        %add3A_279 = vector.broadcast %add3A_278 : i32 to vector<16xi32>
        %add3A_280 = arith.addi %add3A_277, %add3A_279 : vector<16xi32>
        %and3A_281 = arith.constant 31 : i32
        %and3A_282 = vector.broadcast %and3A_281 : i32 to vector<16xi32>
        %and3A_283 = arith.andi %add3A_280, %and3A_282 : vector<16xi32>
        %add3A_284 = arith.constant 2 : i32
        %add3A_285 = vector.broadcast %add3A_284 : i32 to vector<16xi32>
        %add3A_286 = arith.addi %iota3A, %add3A_285 : vector<16xi32>
        %add3A_287 = arith.constant 8 : i32
        %add3A_288 = vector.broadcast %add3A_287 : i32 to vector<16xi32>
        %add3A_289 = arith.addi %add3A_286, %add3A_288 : vector<16xi32>
        %and3A_290 = arith.constant 31 : i32
        %and3A_291 = vector.broadcast %and3A_290 : i32 to vector<16xi32>
        %and3A_292 = arith.andi %add3A_289, %and3A_291 : vector<16xi32>
        %add3A_293 = arith.constant 2 : i32
        %add3A_294 = vector.broadcast %add3A_293 : i32 to vector<16xi32>
        %add3A_295 = arith.addi %iota3A, %add3A_294 : vector<16xi32>
        %add3A_296 = arith.constant 12 : i32
        %add3A_297 = vector.broadcast %add3A_296 : i32 to vector<16xi32>
        %add3A_298 = arith.addi %add3A_295, %add3A_297 : vector<16xi32>
        %and3A_299 = arith.constant 31 : i32
        %and3A_300 = vector.broadcast %and3A_299 : i32 to vector<16xi32>
        %and3A_301 = arith.andi %add3A_298, %and3A_300 : vector<16xi32>
        %add3A_302 = arith.constant 2 : i32
        %add3A_303 = vector.broadcast %add3A_302 : i32 to vector<16xi32>
        %add3A_304 = arith.addi %iota3A, %add3A_303 : vector<16xi32>
        %add3A_305 = arith.constant 16 : i32
        %add3A_306 = vector.broadcast %add3A_305 : i32 to vector<16xi32>
        %add3A_307 = arith.addi %add3A_304, %add3A_306 : vector<16xi32>
        %and3A_308 = arith.constant 31 : i32
        %and3A_309 = vector.broadcast %and3A_308 : i32 to vector<16xi32>
        %and3A_310 = arith.andi %add3A_307, %and3A_309 : vector<16xi32>
        %add3A_311 = arith.constant 2 : i32
        %add3A_312 = vector.broadcast %add3A_311 : i32 to vector<16xi32>
        %add3A_313 = arith.addi %iota3A, %add3A_312 : vector<16xi32>
        %add3A_314 = arith.constant 20 : i32
        %add3A_315 = vector.broadcast %add3A_314 : i32 to vector<16xi32>
        %add3A_316 = arith.addi %add3A_313, %add3A_315 : vector<16xi32>
        %and3A_317 = arith.constant 31 : i32
        %and3A_318 = vector.broadcast %and3A_317 : i32 to vector<16xi32>
        %and3A_319 = arith.andi %add3A_316, %and3A_318 : vector<16xi32>
        %add3A_320 = arith.constant 2 : i32
        %add3A_321 = vector.broadcast %add3A_320 : i32 to vector<16xi32>
        %add3A_322 = arith.addi %iota3A, %add3A_321 : vector<16xi32>
        %add3A_323 = arith.constant 24 : i32
        %add3A_324 = vector.broadcast %add3A_323 : i32 to vector<16xi32>
        %add3A_325 = arith.addi %add3A_322, %add3A_324 : vector<16xi32>
        %and3A_326 = arith.constant 31 : i32
        %and3A_327 = vector.broadcast %and3A_326 : i32 to vector<16xi32>
        %and3A_328 = arith.andi %add3A_325, %and3A_327 : vector<16xi32>
        %add3A_329 = arith.constant 2 : i32
        %add3A_330 = vector.broadcast %add3A_329 : i32 to vector<16xi32>
        %add3A_331 = arith.addi %iota3A, %add3A_330 : vector<16xi32>
        %add3A_332 = arith.constant 28 : i32
        %add3A_333 = vector.broadcast %add3A_332 : i32 to vector<16xi32>
        %add3A_334 = arith.addi %add3A_331, %add3A_333 : vector<16xi32>
        %and3A_335 = arith.constant 31 : i32
        %and3A_336 = vector.broadcast %and3A_335 : i32 to vector<16xi32>
        %and3A_337 = arith.andi %add3A_334, %and3A_336 : vector<16xi32>
        %add3A_338 = arith.addi %mul3A_91, %and3A_274 : vector<16xi32>
        %gather3A_339 = tpu.vector_load_idx %arg5[%add3A_338] : memref<14112xf32, #tpu.memory_space<vmem>>[vector<16xi32>], vector<16xf32>,
        %add3A_340 = arith.addi %mul3A_91, %and3A_283 : vector<16xi32>
        %gather3A_341 = tpu.vector_load_idx %arg5[%add3A_340] : memref<14112xf32, #tpu.memory_space<vmem>>[vector<16xi32>], vector<16xf32>,
        %add3A_342 = arith.addi %mul3A_91, %and3A_292 : vector<16xi32>
        %gather3A_343 = tpu.vector_load_idx %arg5[%add3A_342] : memref<14112xf32, #tpu.memory_space<vmem>>[vector<16xi32>], vector<16xf32>,
        %add3A_344 = arith.addi %mul3A_91, %and3A_301 : vector<16xi32>
        %gather3A_345 = tpu.vector_load_idx %arg5[%add3A_344] : memref<14112xf32, #tpu.memory_space<vmem>>[vector<16xi32>], vector<16xf32>,
        %add3A_346 = arith.addi %mul3A_91, %and3A_310 : vector<16xi32>
        %gather3A_347 = tpu.vector_load_idx %arg5[%add3A_346] : memref<14112xf32, #tpu.memory_space<vmem>>[vector<16xi32>], vector<16xf32>,
        %add3A_348 = arith.addi %mul3A_91, %and3A_319 : vector<16xi32>
        %gather3A_349 = tpu.vector_load_idx %arg5[%add3A_348] : memref<14112xf32, #tpu.memory_space<vmem>>[vector<16xi32>], vector<16xf32>,
        %add3A_350 = arith.addi %mul3A_91, %and3A_328 : vector<16xi32>
        %gather3A_351 = tpu.vector_load_idx %arg5[%add3A_350] : memref<14112xf32, #tpu.memory_space<vmem>>[vector<16xi32>], vector<16xf32>,
        %add3A_352 = arith.addi %mul3A_91, %and3A_337 : vector<16xi32>
        %gather3A_353 = tpu.vector_load_idx %arg5[%add3A_352] : memref<14112xf32, #tpu.memory_space<vmem>>[vector<16xi32>], vector<16xf32>,
        tpu.vector_store_idx %arg8[%and3A_274, %add3A_85], %gather3A_339 : memref<32x512xf32, #tpu.memory_space<vmem>>[vector<16xi32>, vector<16xi32>], vector<16xf32>,
        tpu.vector_store_idx %arg8[%and3A_283, %add3A_85], %gather3A_341 : memref<32x512xf32, #tpu.memory_space<vmem>>[vector<16xi32>, vector<16xi32>], vector<16xf32>,
        tpu.vector_store_idx %arg8[%and3A_292, %add3A_85], %gather3A_343 : memref<32x512xf32, #tpu.memory_space<vmem>>[vector<16xi32>, vector<16xi32>], vector<16xf32>,
        tpu.vector_store_idx %arg8[%and3A_301, %add3A_85], %gather3A_345 : memref<32x512xf32, #tpu.memory_space<vmem>>[vector<16xi32>, vector<16xi32>], vector<16xf32>,
        tpu.vector_store_idx %arg8[%and3A_310, %add3A_85], %gather3A_347 : memref<32x512xf32, #tpu.memory_space<vmem>>[vector<16xi32>, vector<16xi32>], vector<16xf32>,
        tpu.vector_store_idx %arg8[%and3A_319, %add3A_85], %gather3A_349 : memref<32x512xf32, #tpu.memory_space<vmem>>[vector<16xi32>, vector<16xi32>], vector<16xf32>,
        tpu.vector_store_idx %arg8[%and3A_328, %add3A_85], %gather3A_351 : memref<32x512xf32, #tpu.memory_space<vmem>>[vector<16xi32>, vector<16xi32>], vector<16xf32>,
        tpu.vector_store_idx %arg8[%and3A_337, %add3A_85], %gather3A_353 : memref<32x512xf32, #tpu.memory_space<vmem>>[vector<16xi32>, vector<16xi32>], vector<16xf32>,
        %add3A_354 = arith.constant 3 : i32
        %add3A_355 = vector.broadcast %add3A_354 : i32 to vector<16xi32>
        %add3A_356 = arith.addi %iota3A, %add3A_355 : vector<16xi32>
        %add3A_357 = arith.constant 0 : i32
        %add3A_358 = vector.broadcast %add3A_357 : i32 to vector<16xi32>
        %add3A_359 = arith.addi %add3A_356, %add3A_358 : vector<16xi32>
        %and3A_360 = arith.constant 31 : i32
        %and3A_361 = vector.broadcast %and3A_360 : i32 to vector<16xi32>
        %and3A_362 = arith.andi %add3A_359, %and3A_361 : vector<16xi32>
        %add3A_363 = arith.constant 3 : i32
        %add3A_364 = vector.broadcast %add3A_363 : i32 to vector<16xi32>
        %add3A_365 = arith.addi %iota3A, %add3A_364 : vector<16xi32>
        %add3A_366 = arith.constant 4 : i32
        %add3A_367 = vector.broadcast %add3A_366 : i32 to vector<16xi32>
        %add3A_368 = arith.addi %add3A_365, %add3A_367 : vector<16xi32>
        %and3A_369 = arith.constant 31 : i32
        %and3A_370 = vector.broadcast %and3A_369 : i32 to vector<16xi32>
        %and3A_371 = arith.andi %add3A_368, %and3A_370 : vector<16xi32>
        %add3A_372 = arith.constant 3 : i32
        %add3A_373 = vector.broadcast %add3A_372 : i32 to vector<16xi32>
        %add3A_374 = arith.addi %iota3A, %add3A_373 : vector<16xi32>
        %add3A_375 = arith.constant 8 : i32
        %add3A_376 = vector.broadcast %add3A_375 : i32 to vector<16xi32>
        %add3A_377 = arith.addi %add3A_374, %add3A_376 : vector<16xi32>
        %and3A_378 = arith.constant 31 : i32
        %and3A_379 = vector.broadcast %and3A_378 : i32 to vector<16xi32>
        %and3A_380 = arith.andi %add3A_377, %and3A_379 : vector<16xi32>
        %add3A_381 = arith.constant 3 : i32
        %add3A_382 = vector.broadcast %add3A_381 : i32 to vector<16xi32>
        %add3A_383 = arith.addi %iota3A, %add3A_382 : vector<16xi32>
        %add3A_384 = arith.constant 12 : i32
        %add3A_385 = vector.broadcast %add3A_384 : i32 to vector<16xi32>
        %add3A_386 = arith.addi %add3A_383, %add3A_385 : vector<16xi32>
        %and3A_387 = arith.constant 31 : i32
        %and3A_388 = vector.broadcast %and3A_387 : i32 to vector<16xi32>
        %and3A_389 = arith.andi %add3A_386, %and3A_388 : vector<16xi32>
        %add3A_390 = arith.constant 3 : i32
        %add3A_391 = vector.broadcast %add3A_390 : i32 to vector<16xi32>
        %add3A_392 = arith.addi %iota3A, %add3A_391 : vector<16xi32>
        %add3A_393 = arith.constant 16 : i32
        %add3A_394 = vector.broadcast %add3A_393 : i32 to vector<16xi32>
        %add3A_395 = arith.addi %add3A_392, %add3A_394 : vector<16xi32>
        %and3A_396 = arith.constant 31 : i32
        %and3A_397 = vector.broadcast %and3A_396 : i32 to vector<16xi32>
        %and3A_398 = arith.andi %add3A_395, %and3A_397 : vector<16xi32>
        %add3A_399 = arith.constant 3 : i32
        %add3A_400 = vector.broadcast %add3A_399 : i32 to vector<16xi32>
        %add3A_401 = arith.addi %iota3A, %add3A_400 : vector<16xi32>
        %add3A_402 = arith.constant 20 : i32
        %add3A_403 = vector.broadcast %add3A_402 : i32 to vector<16xi32>
        %add3A_404 = arith.addi %add3A_401, %add3A_403 : vector<16xi32>
        %and3A_405 = arith.constant 31 : i32
        %and3A_406 = vector.broadcast %and3A_405 : i32 to vector<16xi32>
        %and3A_407 = arith.andi %add3A_404, %and3A_406 : vector<16xi32>
        %add3A_408 = arith.constant 3 : i32
        %add3A_409 = vector.broadcast %add3A_408 : i32 to vector<16xi32>
        %add3A_410 = arith.addi %iota3A, %add3A_409 : vector<16xi32>
        %add3A_411 = arith.constant 24 : i32
        %add3A_412 = vector.broadcast %add3A_411 : i32 to vector<16xi32>
        %add3A_413 = arith.addi %add3A_410, %add3A_412 : vector<16xi32>
        %and3A_414 = arith.constant 31 : i32
        %and3A_415 = vector.broadcast %and3A_414 : i32 to vector<16xi32>
        %and3A_416 = arith.andi %add3A_413, %and3A_415 : vector<16xi32>
        %add3A_417 = arith.constant 3 : i32
        %add3A_418 = vector.broadcast %add3A_417 : i32 to vector<16xi32>
        %add3A_419 = arith.addi %iota3A, %add3A_418 : vector<16xi32>
        %add3A_420 = arith.constant 28 : i32
        %add3A_421 = vector.broadcast %add3A_420 : i32 to vector<16xi32>
        %add3A_422 = arith.addi %add3A_419, %add3A_421 : vector<16xi32>
        %and3A_423 = arith.constant 31 : i32
        %and3A_424 = vector.broadcast %and3A_423 : i32 to vector<16xi32>
        %and3A_425 = arith.andi %add3A_422, %and3A_424 : vector<16xi32>
        %add3A_426 = arith.addi %mul3A_91, %and3A_362 : vector<16xi32>
        %gather3A_427 = tpu.vector_load_idx %arg5[%add3A_426] : memref<14112xf32, #tpu.memory_space<vmem>>[vector<16xi32>], vector<16xf32>,
        %add3A_428 = arith.addi %mul3A_91, %and3A_371 : vector<16xi32>
        %gather3A_429 = tpu.vector_load_idx %arg5[%add3A_428] : memref<14112xf32, #tpu.memory_space<vmem>>[vector<16xi32>], vector<16xf32>,
        %add3A_430 = arith.addi %mul3A_91, %and3A_380 : vector<16xi32>
        %gather3A_431 = tpu.vector_load_idx %arg5[%add3A_430] : memref<14112xf32, #tpu.memory_space<vmem>>[vector<16xi32>], vector<16xf32>,
        %add3A_432 = arith.addi %mul3A_91, %and3A_389 : vector<16xi32>
        %gather3A_433 = tpu.vector_load_idx %arg5[%add3A_432] : memref<14112xf32, #tpu.memory_space<vmem>>[vector<16xi32>], vector<16xf32>,
        %add3A_434 = arith.addi %mul3A_91, %and3A_398 : vector<16xi32>
        %gather3A_435 = tpu.vector_load_idx %arg5[%add3A_434] : memref<14112xf32, #tpu.memory_space<vmem>>[vector<16xi32>], vector<16xf32>,
        %add3A_436 = arith.addi %mul3A_91, %and3A_407 : vector<16xi32>
        %gather3A_437 = tpu.vector_load_idx %arg5[%add3A_436] : memref<14112xf32, #tpu.memory_space<vmem>>[vector<16xi32>], vector<16xf32>,
        %add3A_438 = arith.addi %mul3A_91, %and3A_416 : vector<16xi32>
        %gather3A_439 = tpu.vector_load_idx %arg5[%add3A_438] : memref<14112xf32, #tpu.memory_space<vmem>>[vector<16xi32>], vector<16xf32>,
        %add3A_440 = arith.addi %mul3A_91, %and3A_425 : vector<16xi32>
        %gather3A_441 = tpu.vector_load_idx %arg5[%add3A_440] : memref<14112xf32, #tpu.memory_space<vmem>>[vector<16xi32>], vector<16xf32>,
        tpu.vector_store_idx %arg8[%and3A_362, %add3A_85], %gather3A_427 : memref<32x512xf32, #tpu.memory_space<vmem>>[vector<16xi32>, vector<16xi32>], vector<16xf32>,
        tpu.vector_store_idx %arg8[%and3A_371, %add3A_85], %gather3A_429 : memref<32x512xf32, #tpu.memory_space<vmem>>[vector<16xi32>, vector<16xi32>], vector<16xf32>,
        tpu.vector_store_idx %arg8[%and3A_380, %add3A_85], %gather3A_431 : memref<32x512xf32, #tpu.memory_space<vmem>>[vector<16xi32>, vector<16xi32>], vector<16xf32>,
        tpu.vector_store_idx %arg8[%and3A_389, %add3A_85], %gather3A_433 : memref<32x512xf32, #tpu.memory_space<vmem>>[vector<16xi32>, vector<16xi32>], vector<16xf32>,
        tpu.vector_store_idx %arg8[%and3A_398, %add3A_85], %gather3A_435 : memref<32x512xf32, #tpu.memory_space<vmem>>[vector<16xi32>, vector<16xi32>], vector<16xf32>,
        tpu.vector_store_idx %arg8[%and3A_407, %add3A_85], %gather3A_437 : memref<32x512xf32, #tpu.memory_space<vmem>>[vector<16xi32>, vector<16xi32>], vector<16xf32>,
        tpu.vector_store_idx %arg8[%and3A_416, %add3A_85], %gather3A_439 : memref<32x512xf32, #tpu.memory_space<vmem>>[vector<16xi32>, vector<16xi32>], vector<16xf32>,
        tpu.vector_store_idx %arg8[%and3A_425, %add3A_85], %gather3A_441 : memref<32x512xf32, #tpu.memory_space<vmem>>[vector<16xi32>, vector<16xi32>], vector<16xf32>,
      }
      %scan3A_40 = arith.constant 32 : i32
      %mul3A_41 = arith.constant 32 : i32
      %mul3A_42 = arith.muli %add3A_28, %mul3A_41 : i32
      %dma_start3A_43 = tpu.memref_slice %arg4[%mul3A_42, %mul3A_2] : memref<1600x16384xf32, #tpu.memory_space<hbm>> -> memref<32x512xf32, #tpu.memory_space<hbm>>
      %dma_start3A_44 = tpu.memref_slice %arg4[%mul3A_42, %mul3A_2] : memref<1600x16384xf32, #tpu.memory_space<hbm>> -> memref<32x512xf32, #tpu.memory_space<hbm>>
      tpu.enqueue_dma source(%arg8 : memref<32x512xf32, #tpu.memory_space<vmem>>) target(%dma_start3A_44 : memref<32x512xf32, #tpu.memory_space<hbm>>) target_semaphore(%arg12 : memref<!tpu.dma_semaphore, #tpu.memory_space<semaphore_mem>>)
      %add3A_45 = arith.constant 2 : i32
      %add3A_46 = arith.addi %add3A_28, %add3A_45 : i32
      %lt3A = arith.constant 50 : i32
      %lt3A_47 = arith.cmpi slt, %add3A_46, %lt3A : i32
      %convert_element_type3A_48 = arith.extui %lt3A_47 : i1 to i32
      %cond3A_49 = arith.constant 0 : i32
      %cond3A_50 = arith.cmpi ne, %convert_element_type3A_48, %cond3A_49 : i32
      scf.if %cond3A_50 {
        %add3A_81 = arith.constant 2 : i32
        %add3A_82 = arith.addi %add3A_28, %add3A_81 : i32
        %dma_start3A_83 = tpu.memref_slice %arg3[%add3A_82, %mul3A_2] : memref<50x16384xi32, #tpu.memory_space<hbm>> -> memref<1x512xi32, #tpu.memory_space<hbm>>
        %dma_start3A_84 = tpu.memref_squeeze %dma_start3A_83 : memref<1x512xi32, #tpu.memory_space<hbm>> -> memref<512xi32, #tpu.memory_space<hbm>>
        %dma_start3A_85 = tpu.memref_slice %arg3[%add3A_82, %mul3A_2] : memref<50x16384xi32, #tpu.memory_space<hbm>> -> memref<1x512xi32, #tpu.memory_space<hbm>>
        %dma_start3A_86 = tpu.memref_squeeze %dma_start3A_85 : memref<1x512xi32, #tpu.memory_space<hbm>> -> memref<512xi32, #tpu.memory_space<hbm>>
        tpu.enqueue_dma source(%dma_start3A_86 : memref<512xi32, #tpu.memory_space<hbm>>) target(%arg6 : memref<512xi32, #tpu.memory_space<vmem>>) target_semaphore(%arg10 : memref<!tpu.dma_semaphore, #tpu.memory_space<semaphore_mem>>)
      } else {
      }
      %mul3A_51 = arith.constant 2 : i32
      %mul3A_52 = arith.muli %scan3A_24, %mul3A_51 : i32
      %add3A_53 = arith.constant 1 : i32
      %add3A_54 = arith.addi %mul3A_52, %add3A_53 : i32
      %dma_wait3A_55 = tpu.memref_slice %arg3[%add3A_54, %mul3A_2] : memref<50x16384xi32, #tpu.memory_space<hbm>> -> memref<1x512xi32, #tpu.memory_space<hbm>>
      %dma_wait3A_56 = tpu.memref_squeeze %dma_wait3A_55 : memref<1x512xi32, #tpu.memory_space<hbm>> -> memref<512xi32, #tpu.memory_space<hbm>>
      %dma_wait3A_57 = tpu.memref_slice %arg3[%add3A_54, %mul3A_2] : memref<50x16384xi32, #tpu.memory_space<hbm>> -> memref<1x512xi32, #tpu.memory_space<hbm>>
      %dma_wait3A_58 = tpu.memref_squeeze %dma_wait3A_57 : memref<1x512xi32, #tpu.memory_space<hbm>> -> memref<512xi32, #tpu.memory_space<hbm>>
      tpu.wait_dma2 semaphore(%arg11 : memref<!tpu.dma_semaphore, #tpu.memory_space<semaphore_mem>>) src(%dma_wait3A_58 : memref<512xi32, #tpu.memory_space<hbm>>) dst(%arg7 : memref<512xi32, #tpu.memory_space<vmem>>)
      %gt3A_59 = arith.constant 0 : i32
      %gt3A_60 = arith.cmpi sgt, %scan3A_24, %gt3A_59 : i32
      %convert_element_type3A_61 = arith.extui %gt3A_60 : i1 to i32
      %cond3A_62 = arith.constant 0 : i32
      %cond3A_63 = arith.cmpi ne, %convert_element_type3A_61, %cond3A_62 : i32
      scf.if %cond3A_63 {
        %sub3A = arith.constant 2 : i32
        %sub3A_81 = arith.subi %add3A_54, %sub3A : i32
        %mul3A_82 = arith.constant 32 : i32
        %mul3A_83 = arith.muli %sub3A_81, %mul3A_82 : i32
        %dma_wait3A_84 = tpu.memref_slice %arg4[%mul3A_83, %mul3A_2] : memref<1600x16384xf32, #tpu.memory_space<hbm>> -> memref<32x512xf32, #tpu.memory_space<hbm>>
        %dma_wait3A_85 = tpu.memref_slice %arg4[%mul3A_83, %mul3A_2] : memref<1600x16384xf32, #tpu.memory_space<hbm>> -> memref<32x512xf32, #tpu.memory_space<hbm>>
        tpu.wait_dma2 semaphore(%arg13 : memref<!tpu.dma_semaphore, #tpu.memory_space<semaphore_mem>>) src(%arg9 : memref<32x512xf32, #tpu.memory_space<vmem>>) dst(%dma_wait3A_85 : memref<32x512xf32, #tpu.memory_space<hbm>>)
      } else {
      }
      %scan3A_64 = arith.constant 0 : i32
      %scan3A_65 = arith.constant 0 : i32
      %scan3A_66 = arith.constant 32 : i32
      %scan3A_67 = arith.addi %scan3A_65, %scan3A_66 : i32
      %scan3A_68 = arith.constant 1 : i32
      scf.for %scan3A_81 = %scan3A_65 to %scan3A_67 step %scan3A_68  : i32 {
        %mul3A_82 = arith.constant 16 : i32
        %mul3A_83 = arith.muli %scan3A_81, %mul3A_82 : i32
        %add3A_84 = vector.broadcast %mul3A_83 : i32 to vector<16xi32>
        %add3A_85 = arith.addi %add3A_84, %iota3A : vector<16xi32>
        %mul3A_86 = arith.constant 16 : i32
        %mul3A_87 = arith.muli %scan3A_81, %mul3A_86 : i32
        %get3A = arith.index_cast %mul3A_87 : i32 to index
        %get3A_88 = tpu.vector_load %arg7[%get3A] {strides = array<i32>} : memref<512xi32, #tpu.memory_space<vmem>>, vector<16xi32>,
        %mul3A_89 = arith.constant 32 : i32
        %mul3A_90 = vector.broadcast %mul3A_89 : i32 to vector<16xi32>
        %mul3A_91 = arith.muli %get3A_88, %mul3A_90 : vector<16xi32>
        %add3A_92 = arith.constant 0 : i32
        %add3A_93 = vector.broadcast %add3A_92 : i32 to vector<16xi32>
        %add3A_94 = arith.addi %iota3A, %add3A_93 : vector<16xi32>
        %add3A_95 = arith.constant 0 : i32
        %add3A_96 = vector.broadcast %add3A_95 : i32 to vector<16xi32>
        %add3A_97 = arith.addi %add3A_94, %add3A_96 : vector<16xi32>
        %and3A = arith.constant 31 : i32
        %and3A_98 = vector.broadcast %and3A : i32 to vector<16xi32>
        %and3A_99 = arith.andi %add3A_97, %and3A_98 : vector<16xi32>
        %add3A_100 = arith.constant 0 : i32
        %add3A_101 = vector.broadcast %add3A_100 : i32 to vector<16xi32>
        %add3A_102 = arith.addi %iota3A, %add3A_101 : vector<16xi32>
        %add3A_103 = arith.constant 4 : i32
        %add3A_104 = vector.broadcast %add3A_103 : i32 to vector<16xi32>
        %add3A_105 = arith.addi %add3A_102, %add3A_104 : vector<16xi32>
        %and3A_106 = arith.constant 31 : i32
        %and3A_107 = vector.broadcast %and3A_106 : i32 to vector<16xi32>
        %and3A_108 = arith.andi %add3A_105, %and3A_107 : vector<16xi32>
        %add3A_109 = arith.constant 0 : i32
        %add3A_110 = vector.broadcast %add3A_109 : i32 to vector<16xi32>
        %add3A_111 = arith.addi %iota3A, %add3A_110 : vector<16xi32>
        %add3A_112 = arith.constant 8 : i32
        %add3A_113 = vector.broadcast %add3A_112 : i32 to vector<16xi32>
        %add3A_114 = arith.addi %add3A_111, %add3A_113 : vector<16xi32>
        %and3A_115 = arith.constant 31 : i32
        %and3A_116 = vector.broadcast %and3A_115 : i32 to vector<16xi32>
        %and3A_117 = arith.andi %add3A_114, %and3A_116 : vector<16xi32>
        %add3A_118 = arith.constant 0 : i32
        %add3A_119 = vector.broadcast %add3A_118 : i32 to vector<16xi32>
        %add3A_120 = arith.addi %iota3A, %add3A_119 : vector<16xi32>
        %add3A_121 = arith.constant 12 : i32
        %add3A_122 = vector.broadcast %add3A_121 : i32 to vector<16xi32>
        %add3A_123 = arith.addi %add3A_120, %add3A_122 : vector<16xi32>
        %and3A_124 = arith.constant 31 : i32
        %and3A_125 = vector.broadcast %and3A_124 : i32 to vector<16xi32>
        %and3A_126 = arith.andi %add3A_123, %and3A_125 : vector<16xi32>
        %add3A_127 = arith.constant 0 : i32
        %add3A_128 = vector.broadcast %add3A_127 : i32 to vector<16xi32>
        %add3A_129 = arith.addi %iota3A, %add3A_128 : vector<16xi32>
        %add3A_130 = arith.constant 16 : i32
        %add3A_131 = vector.broadcast %add3A_130 : i32 to vector<16xi32>
        %add3A_132 = arith.addi %add3A_129, %add3A_131 : vector<16xi32>
        %and3A_133 = arith.constant 31 : i32
        %and3A_134 = vector.broadcast %and3A_133 : i32 to vector<16xi32>
        %and3A_135 = arith.andi %add3A_132, %and3A_134 : vector<16xi32>
        %add3A_136 = arith.constant 0 : i32
        %add3A_137 = vector.broadcast %add3A_136 : i32 to vector<16xi32>
        %add3A_138 = arith.addi %iota3A, %add3A_137 : vector<16xi32>
        %add3A_139 = arith.constant 20 : i32
        %add3A_140 = vector.broadcast %add3A_139 : i32 to vector<16xi32>
        %add3A_141 = arith.addi %add3A_138, %add3A_140 : vector<16xi32>
        %and3A_142 = arith.constant 31 : i32
        %and3A_143 = vector.broadcast %and3A_142 : i32 to vector<16xi32>
        %and3A_144 = arith.andi %add3A_141, %and3A_143 : vector<16xi32>
        %add3A_145 = arith.constant 0 : i32
        %add3A_146 = vector.broadcast %add3A_145 : i32 to vector<16xi32>
        %add3A_147 = arith.addi %iota3A, %add3A_146 : vector<16xi32>
        %add3A_148 = arith.constant 24 : i32
        %add3A_149 = vector.broadcast %add3A_148 : i32 to vector<16xi32>
        %add3A_150 = arith.addi %add3A_147, %add3A_149 : vector<16xi32>
        %and3A_151 = arith.constant 31 : i32
        %and3A_152 = vector.broadcast %and3A_151 : i32 to vector<16xi32>
        %and3A_153 = arith.andi %add3A_150, %and3A_152 : vector<16xi32>
        %add3A_154 = arith.constant 0 : i32
        %add3A_155 = vector.broadcast %add3A_154 : i32 to vector<16xi32>
        %add3A_156 = arith.addi %iota3A, %add3A_155 : vector<16xi32>
        %add3A_157 = arith.constant 28 : i32
        %add3A_158 = vector.broadcast %add3A_157 : i32 to vector<16xi32>
        %add3A_159 = arith.addi %add3A_156, %add3A_158 : vector<16xi32>
        %and3A_160 = arith.constant 31 : i32
        %and3A_161 = vector.broadcast %and3A_160 : i32 to vector<16xi32>
        %and3A_162 = arith.andi %add3A_159, %and3A_161 : vector<16xi32>
        %add3A_163 = arith.addi %mul3A_91, %and3A_99 : vector<16xi32>
        %gather3A = tpu.vector_load_idx %arg5[%add3A_163] : memref<14112xf32, #tpu.memory_space<vmem>>[vector<16xi32>], vector<16xf32>,
        %add3A_164 = arith.addi %mul3A_91, %and3A_108 : vector<16xi32>
        %gather3A_165 = tpu.vector_load_idx %arg5[%add3A_164] : memref<14112xf32, #tpu.memory_space<vmem>>[vector<16xi32>], vector<16xf32>,
        %add3A_166 = arith.addi %mul3A_91, %and3A_117 : vector<16xi32>
        %gather3A_167 = tpu.vector_load_idx %arg5[%add3A_166] : memref<14112xf32, #tpu.memory_space<vmem>>[vector<16xi32>], vector<16xf32>,
        %add3A_168 = arith.addi %mul3A_91, %and3A_126 : vector<16xi32>
        %gather3A_169 = tpu.vector_load_idx %arg5[%add3A_168] : memref<14112xf32, #tpu.memory_space<vmem>>[vector<16xi32>], vector<16xf32>,
        %add3A_170 = arith.addi %mul3A_91, %and3A_135 : vector<16xi32>
        %gather3A_171 = tpu.vector_load_idx %arg5[%add3A_170] : memref<14112xf32, #tpu.memory_space<vmem>>[vector<16xi32>], vector<16xf32>,
        %add3A_172 = arith.addi %mul3A_91, %and3A_144 : vector<16xi32>
        %gather3A_173 = tpu.vector_load_idx %arg5[%add3A_172] : memref<14112xf32, #tpu.memory_space<vmem>>[vector<16xi32>], vector<16xf32>,
        %add3A_174 = arith.addi %mul3A_91, %and3A_153 : vector<16xi32>
        %gather3A_175 = tpu.vector_load_idx %arg5[%add3A_174] : memref<14112xf32, #tpu.memory_space<vmem>>[vector<16xi32>], vector<16xf32>,
        %add3A_176 = arith.addi %mul3A_91, %and3A_162 : vector<16xi32>
        %gather3A_177 = tpu.vector_load_idx %arg5[%add3A_176] : memref<14112xf32, #tpu.memory_space<vmem>>[vector<16xi32>], vector<16xf32>,
        tpu.vector_store_idx %arg9[%and3A_99, %add3A_85], %gather3A : memref<32x512xf32, #tpu.memory_space<vmem>>[vector<16xi32>, vector<16xi32>], vector<16xf32>,
        tpu.vector_store_idx %arg9[%and3A_108, %add3A_85], %gather3A_165 : memref<32x512xf32, #tpu.memory_space<vmem>>[vector<16xi32>, vector<16xi32>], vector<16xf32>,
        tpu.vector_store_idx %arg9[%and3A_117, %add3A_85], %gather3A_167 : memref<32x512xf32, #tpu.memory_space<vmem>>[vector<16xi32>, vector<16xi32>], vector<16xf32>,
        tpu.vector_store_idx %arg9[%and3A_126, %add3A_85], %gather3A_169 : memref<32x512xf32, #tpu.memory_space<vmem>>[vector<16xi32>, vector<16xi32>], vector<16xf32>,
        tpu.vector_store_idx %arg9[%and3A_135, %add3A_85], %gather3A_171 : memref<32x512xf32, #tpu.memory_space<vmem>>[vector<16xi32>, vector<16xi32>], vector<16xf32>,
        tpu.vector_store_idx %arg9[%and3A_144, %add3A_85], %gather3A_173 : memref<32x512xf32, #tpu.memory_space<vmem>>[vector<16xi32>, vector<16xi32>], vector<16xf32>,
        tpu.vector_store_idx %arg9[%and3A_153, %add3A_85], %gather3A_175 : memref<32x512xf32, #tpu.memory_space<vmem>>[vector<16xi32>, vector<16xi32>], vector<16xf32>,
        tpu.vector_store_idx %arg9[%and3A_162, %add3A_85], %gather3A_177 : memref<32x512xf32, #tpu.memory_space<vmem>>[vector<16xi32>, vector<16xi32>], vector<16xf32>,
        %add3A_178 = arith.constant 1 : i32
        %add3A_179 = vector.broadcast %add3A_178 : i32 to vector<16xi32>
        %add3A_180 = arith.addi %iota3A, %add3A_179 : vector<16xi32>
        %add3A_181 = arith.constant 0 : i32
        %add3A_182 = vector.broadcast %add3A_181 : i32 to vector<16xi32>
        %add3A_183 = arith.addi %add3A_180, %add3A_182 : vector<16xi32>
        %and3A_184 = arith.constant 31 : i32
        %and3A_185 = vector.broadcast %and3A_184 : i32 to vector<16xi32>
        %and3A_186 = arith.andi %add3A_183, %and3A_185 : vector<16xi32>
        %add3A_187 = arith.constant 1 : i32
        %add3A_188 = vector.broadcast %add3A_187 : i32 to vector<16xi32>
        %add3A_189 = arith.addi %iota3A, %add3A_188 : vector<16xi32>
        %add3A_190 = arith.constant 4 : i32
        %add3A_191 = vector.broadcast %add3A_190 : i32 to vector<16xi32>
        %add3A_192 = arith.addi %add3A_189, %add3A_191 : vector<16xi32>
        %and3A_193 = arith.constant 31 : i32
        %and3A_194 = vector.broadcast %and3A_193 : i32 to vector<16xi32>
        %and3A_195 = arith.andi %add3A_192, %and3A_194 : vector<16xi32>
        %add3A_196 = arith.constant 1 : i32
        %add3A_197 = vector.broadcast %add3A_196 : i32 to vector<16xi32>
        %add3A_198 = arith.addi %iota3A, %add3A_197 : vector<16xi32>
        %add3A_199 = arith.constant 8 : i32
        %add3A_200 = vector.broadcast %add3A_199 : i32 to vector<16xi32>
        %add3A_201 = arith.addi %add3A_198, %add3A_200 : vector<16xi32>
        %and3A_202 = arith.constant 31 : i32
        %and3A_203 = vector.broadcast %and3A_202 : i32 to vector<16xi32>
        %and3A_204 = arith.andi %add3A_201, %and3A_203 : vector<16xi32>
        %add3A_205 = arith.constant 1 : i32
        %add3A_206 = vector.broadcast %add3A_205 : i32 to vector<16xi32>
        %add3A_207 = arith.addi %iota3A, %add3A_206 : vector<16xi32>
        %add3A_208 = arith.constant 12 : i32
        %add3A_209 = vector.broadcast %add3A_208 : i32 to vector<16xi32>
        %add3A_210 = arith.addi %add3A_207, %add3A_209 : vector<16xi32>
        %and3A_211 = arith.constant 31 : i32
        %and3A_212 = vector.broadcast %and3A_211 : i32 to vector<16xi32>
        %and3A_213 = arith.andi %add3A_210, %and3A_212 : vector<16xi32>
        %add3A_214 = arith.constant 1 : i32
        %add3A_215 = vector.broadcast %add3A_214 : i32 to vector<16xi32>
        %add3A_216 = arith.addi %iota3A, %add3A_215 : vector<16xi32>
        %add3A_217 = arith.constant 16 : i32
        %add3A_218 = vector.broadcast %add3A_217 : i32 to vector<16xi32>
        %add3A_219 = arith.addi %add3A_216, %add3A_218 : vector<16xi32>
        %and3A_220 = arith.constant 31 : i32
        %and3A_221 = vector.broadcast %and3A_220 : i32 to vector<16xi32>
        %and3A_222 = arith.andi %add3A_219, %and3A_221 : vector<16xi32>
        %add3A_223 = arith.constant 1 : i32
        %add3A_224 = vector.broadcast %add3A_223 : i32 to vector<16xi32>
        %add3A_225 = arith.addi %iota3A, %add3A_224 : vector<16xi32>
        %add3A_226 = arith.constant 20 : i32
        %add3A_227 = vector.broadcast %add3A_226 : i32 to vector<16xi32>
        %add3A_228 = arith.addi %add3A_225, %add3A_227 : vector<16xi32>
        %and3A_229 = arith.constant 31 : i32
        %and3A_230 = vector.broadcast %and3A_229 : i32 to vector<16xi32>
        %and3A_231 = arith.andi %add3A_228, %and3A_230 : vector<16xi32>
        %add3A_232 = arith.constant 1 : i32
        %add3A_233 = vector.broadcast %add3A_232 : i32 to vector<16xi32>
        %add3A_234 = arith.addi %iota3A, %add3A_233 : vector<16xi32>
        %add3A_235 = arith.constant 24 : i32
        %add3A_236 = vector.broadcast %add3A_235 : i32 to vector<16xi32>
        %add3A_237 = arith.addi %add3A_234, %add3A_236 : vector<16xi32>
        %and3A_238 = arith.constant 31 : i32
        %and3A_239 = vector.broadcast %and3A_238 : i32 to vector<16xi32>
        %and3A_240 = arith.andi %add3A_237, %and3A_239 : vector<16xi32>
        %add3A_241 = arith.constant 1 : i32
        %add3A_242 = vector.broadcast %add3A_241 : i32 to vector<16xi32>
        %add3A_243 = arith.addi %iota3A, %add3A_242 : vector<16xi32>
        %add3A_244 = arith.constant 28 : i32
        %add3A_245 = vector.broadcast %add3A_244 : i32 to vector<16xi32>
        %add3A_246 = arith.addi %add3A_243, %add3A_245 : vector<16xi32>
        %and3A_247 = arith.constant 31 : i32
        %and3A_248 = vector.broadcast %and3A_247 : i32 to vector<16xi32>
        %and3A_249 = arith.andi %add3A_246, %and3A_248 : vector<16xi32>
        %add3A_250 = arith.addi %mul3A_91, %and3A_186 : vector<16xi32>
        %gather3A_251 = tpu.vector_load_idx %arg5[%add3A_250] : memref<14112xf32, #tpu.memory_space<vmem>>[vector<16xi32>], vector<16xf32>,
        %add3A_252 = arith.addi %mul3A_91, %and3A_195 : vector<16xi32>
        %gather3A_253 = tpu.vector_load_idx %arg5[%add3A_252] : memref<14112xf32, #tpu.memory_space<vmem>>[vector<16xi32>], vector<16xf32>,
        %add3A_254 = arith.addi %mul3A_91, %and3A_204 : vector<16xi32>
        %gather3A_255 = tpu.vector_load_idx %arg5[%add3A_254] : memref<14112xf32, #tpu.memory_space<vmem>>[vector<16xi32>], vector<16xf32>,
        %add3A_256 = arith.addi %mul3A_91, %and3A_213 : vector<16xi32>
        %gather3A_257 = tpu.vector_load_idx %arg5[%add3A_256] : memref<14112xf32, #tpu.memory_space<vmem>>[vector<16xi32>], vector<16xf32>,
        %add3A_258 = arith.addi %mul3A_91, %and3A_222 : vector<16xi32>
        %gather3A_259 = tpu.vector_load_idx %arg5[%add3A_258] : memref<14112xf32, #tpu.memory_space<vmem>>[vector<16xi32>], vector<16xf32>,
        %add3A_260 = arith.addi %mul3A_91, %and3A_231 : vector<16xi32>
        %gather3A_261 = tpu.vector_load_idx %arg5[%add3A_260] : memref<14112xf32, #tpu.memory_space<vmem>>[vector<16xi32>], vector<16xf32>,
        %add3A_262 = arith.addi %mul3A_91, %and3A_240 : vector<16xi32>
        %gather3A_263 = tpu.vector_load_idx %arg5[%add3A_262] : memref<14112xf32, #tpu.memory_space<vmem>>[vector<16xi32>], vector<16xf32>,
        %add3A_264 = arith.addi %mul3A_91, %and3A_249 : vector<16xi32>
        %gather3A_265 = tpu.vector_load_idx %arg5[%add3A_264] : memref<14112xf32, #tpu.memory_space<vmem>>[vector<16xi32>], vector<16xf32>,
        tpu.vector_store_idx %arg9[%and3A_186, %add3A_85], %gather3A_251 : memref<32x512xf32, #tpu.memory_space<vmem>>[vector<16xi32>, vector<16xi32>], vector<16xf32>,
        tpu.vector_store_idx %arg9[%and3A_195, %add3A_85], %gather3A_253 : memref<32x512xf32, #tpu.memory_space<vmem>>[vector<16xi32>, vector<16xi32>], vector<16xf32>,
        tpu.vector_store_idx %arg9[%and3A_204, %add3A_85], %gather3A_255 : memref<32x512xf32, #tpu.memory_space<vmem>>[vector<16xi32>, vector<16xi32>], vector<16xf32>,
        tpu.vector_store_idx %arg9[%and3A_213, %add3A_85], %gather3A_257 : memref<32x512xf32, #tpu.memory_space<vmem>>[vector<16xi32>, vector<16xi32>], vector<16xf32>,
        tpu.vector_store_idx %arg9[%and3A_222, %add3A_85], %gather3A_259 : memref<32x512xf32, #tpu.memory_space<vmem>>[vector<16xi32>, vector<16xi32>], vector<16xf32>,
        tpu.vector_store_idx %arg9[%and3A_231, %add3A_85], %gather3A_261 : memref<32x512xf32, #tpu.memory_space<vmem>>[vector<16xi32>, vector<16xi32>], vector<16xf32>,
        tpu.vector_store_idx %arg9[%and3A_240, %add3A_85], %gather3A_263 : memref<32x512xf32, #tpu.memory_space<vmem>>[vector<16xi32>, vector<16xi32>], vector<16xf32>,
        tpu.vector_store_idx %arg9[%and3A_249, %add3A_85], %gather3A_265 : memref<32x512xf32, #tpu.memory_space<vmem>>[vector<16xi32>, vector<16xi32>], vector<16xf32>,
        %add3A_266 = arith.constant 2 : i32
        %add3A_267 = vector.broadcast %add3A_266 : i32 to vector<16xi32>
        %add3A_268 = arith.addi %iota3A, %add3A_267 : vector<16xi32>
        %add3A_269 = arith.constant 0 : i32
        %add3A_270 = vector.broadcast %add3A_269 : i32 to vector<16xi32>
        %add3A_271 = arith.addi %add3A_268, %add3A_270 : vector<16xi32>
        %and3A_272 = arith.constant 31 : i32
        %and3A_273 = vector.broadcast %and3A_272 : i32 to vector<16xi32>
        %and3A_274 = arith.andi %add3A_271, %and3A_273 : vector<16xi32>
        %add3A_275 = arith.constant 2 : i32
        %add3A_276 = vector.broadcast %add3A_275 : i32 to vector<16xi32>
        %add3A_277 = arith.addi %iota3A, %add3A_276 : vector<16xi32>
        %add3A_278 = arith.constant 4 : i32
        %add3A_279 = vector.broadcast %add3A_278 : i32 to vector<16xi32>
        %add3A_280 = arith.addi %add3A_277, %add3A_279 : vector<16xi32>
        %and3A_281 = arith.constant 31 : i32
        %and3A_282 = vector.broadcast %and3A_281 : i32 to vector<16xi32>
        %and3A_283 = arith.andi %add3A_280, %and3A_282 : vector<16xi32>
        %add3A_284 = arith.constant 2 : i32
        %add3A_285 = vector.broadcast %add3A_284 : i32 to vector<16xi32>
        %add3A_286 = arith.addi %iota3A, %add3A_285 : vector<16xi32>
        %add3A_287 = arith.constant 8 : i32
        %add3A_288 = vector.broadcast %add3A_287 : i32 to vector<16xi32>
        %add3A_289 = arith.addi %add3A_286, %add3A_288 : vector<16xi32>
        %and3A_290 = arith.constant 31 : i32
        %and3A_291 = vector.broadcast %and3A_290 : i32 to vector<16xi32>
        %and3A_292 = arith.andi %add3A_289, %and3A_291 : vector<16xi32>
        %add3A_293 = arith.constant 2 : i32
        %add3A_294 = vector.broadcast %add3A_293 : i32 to vector<16xi32>
        %add3A_295 = arith.addi %iota3A, %add3A_294 : vector<16xi32>
        %add3A_296 = arith.constant 12 : i32
        %add3A_297 = vector.broadcast %add3A_296 : i32 to vector<16xi32>
        %add3A_298 = arith.addi %add3A_295, %add3A_297 : vector<16xi32>
        %and3A_299 = arith.constant 31 : i32
        %and3A_300 = vector.broadcast %and3A_299 : i32 to vector<16xi32>
        %and3A_301 = arith.andi %add3A_298, %and3A_300 : vector<16xi32>
        %add3A_302 = arith.constant 2 : i32
        %add3A_303 = vector.broadcast %add3A_302 : i32 to vector<16xi32>
        %add3A_304 = arith.addi %iota3A, %add3A_303 : vector<16xi32>
        %add3A_305 = arith.constant 16 : i32
        %add3A_306 = vector.broadcast %add3A_305 : i32 to vector<16xi32>
        %add3A_307 = arith.addi %add3A_304, %add3A_306 : vector<16xi32>
        %and3A_308 = arith.constant 31 : i32
        %and3A_309 = vector.broadcast %and3A_308 : i32 to vector<16xi32>
        %and3A_310 = arith.andi %add3A_307, %and3A_309 : vector<16xi32>
        %add3A_311 = arith.constant 2 : i32
        %add3A_312 = vector.broadcast %add3A_311 : i32 to vector<16xi32>
        %add3A_313 = arith.addi %iota3A, %add3A_312 : vector<16xi32>
        %add3A_314 = arith.constant 20 : i32
        %add3A_315 = vector.broadcast %add3A_314 : i32 to vector<16xi32>
        %add3A_316 = arith.addi %add3A_313, %add3A_315 : vector<16xi32>
        %and3A_317 = arith.constant 31 : i32
        %and3A_318 = vector.broadcast %and3A_317 : i32 to vector<16xi32>
        %and3A_319 = arith.andi %add3A_316, %and3A_318 : vector<16xi32>
        %add3A_320 = arith.constant 2 : i32
        %add3A_321 = vector.broadcast %add3A_320 : i32 to vector<16xi32>
        %add3A_322 = arith.addi %iota3A, %add3A_321 : vector<16xi32>
        %add3A_323 = arith.constant 24 : i32
        %add3A_324 = vector.broadcast %add3A_323 : i32 to vector<16xi32>
        %add3A_325 = arith.addi %add3A_322, %add3A_324 : vector<16xi32>
        %and3A_326 = arith.constant 31 : i32
        %and3A_327 = vector.broadcast %and3A_326 : i32 to vector<16xi32>
        %and3A_328 = arith.andi %add3A_325, %and3A_327 : vector<16xi32>
        %add3A_329 = arith.constant 2 : i32
        %add3A_330 = vector.broadcast %add3A_329 : i32 to vector<16xi32>
        %add3A_331 = arith.addi %iota3A, %add3A_330 : vector<16xi32>
        %add3A_332 = arith.constant 28 : i32
        %add3A_333 = vector.broadcast %add3A_332 : i32 to vector<16xi32>
        %add3A_334 = arith.addi %add3A_331, %add3A_333 : vector<16xi32>
        %and3A_335 = arith.constant 31 : i32
        %and3A_336 = vector.broadcast %and3A_335 : i32 to vector<16xi32>
        %and3A_337 = arith.andi %add3A_334, %and3A_336 : vector<16xi32>
        %add3A_338 = arith.addi %mul3A_91, %and3A_274 : vector<16xi32>
        %gather3A_339 = tpu.vector_load_idx %arg5[%add3A_338] : memref<14112xf32, #tpu.memory_space<vmem>>[vector<16xi32>], vector<16xf32>,
        %add3A_340 = arith.addi %mul3A_91, %and3A_283 : vector<16xi32>
        %gather3A_341 = tpu.vector_load_idx %arg5[%add3A_340] : memref<14112xf32, #tpu.memory_space<vmem>>[vector<16xi32>], vector<16xf32>,
        %add3A_342 = arith.addi %mul3A_91, %and3A_292 : vector<16xi32>
        %gather3A_343 = tpu.vector_load_idx %arg5[%add3A_342] : memref<14112xf32, #tpu.memory_space<vmem>>[vector<16xi32>], vector<16xf32>,
        %add3A_344 = arith.addi %mul3A_91, %and3A_301 : vector<16xi32>
        %gather3A_345 = tpu.vector_load_idx %arg5[%add3A_344] : memref<14112xf32, #tpu.memory_space<vmem>>[vector<16xi32>], vector<16xf32>,
        %add3A_346 = arith.addi %mul3A_91, %and3A_310 : vector<16xi32>
        %gather3A_347 = tpu.vector_load_idx %arg5[%add3A_346] : memref<14112xf32, #tpu.memory_space<vmem>>[vector<16xi32>], vector<16xf32>,
        %add3A_348 = arith.addi %mul3A_91, %and3A_319 : vector<16xi32>
        %gather3A_349 = tpu.vector_load_idx %arg5[%add3A_348] : memref<14112xf32, #tpu.memory_space<vmem>>[vector<16xi32>], vector<16xf32>,
        %add3A_350 = arith.addi %mul3A_91, %and3A_328 : vector<16xi32>
        %gather3A_351 = tpu.vector_load_idx %arg5[%add3A_350] : memref<14112xf32, #tpu.memory_space<vmem>>[vector<16xi32>], vector<16xf32>,
        %add3A_352 = arith.addi %mul3A_91, %and3A_337 : vector<16xi32>
        %gather3A_353 = tpu.vector_load_idx %arg5[%add3A_352] : memref<14112xf32, #tpu.memory_space<vmem>>[vector<16xi32>], vector<16xf32>,
        tpu.vector_store_idx %arg9[%and3A_274, %add3A_85], %gather3A_339 : memref<32x512xf32, #tpu.memory_space<vmem>>[vector<16xi32>, vector<16xi32>], vector<16xf32>,
        tpu.vector_store_idx %arg9[%and3A_283, %add3A_85], %gather3A_341 : memref<32x512xf32, #tpu.memory_space<vmem>>[vector<16xi32>, vector<16xi32>], vector<16xf32>,
        tpu.vector_store_idx %arg9[%and3A_292, %add3A_85], %gather3A_343 : memref<32x512xf32, #tpu.memory_space<vmem>>[vector<16xi32>, vector<16xi32>], vector<16xf32>,
        tpu.vector_store_idx %arg9[%and3A_301, %add3A_85], %gather3A_345 : memref<32x512xf32, #tpu.memory_space<vmem>>[vector<16xi32>, vector<16xi32>], vector<16xf32>,
        tpu.vector_store_idx %arg9[%and3A_310, %add3A_85], %gather3A_347 : memref<32x512xf32, #tpu.memory_space<vmem>>[vector<16xi32>, vector<16xi32>], vector<16xf32>,
        tpu.vector_store_idx %arg9[%and3A_319, %add3A_85], %gather3A_349 : memref<32x512xf32, #tpu.memory_space<vmem>>[vector<16xi32>, vector<16xi32>], vector<16xf32>,
        tpu.vector_store_idx %arg9[%and3A_328, %add3A_85], %gather3A_351 : memref<32x512xf32, #tpu.memory_space<vmem>>[vector<16xi32>, vector<16xi32>], vector<16xf32>,
        tpu.vector_store_idx %arg9[%and3A_337, %add3A_85], %gather3A_353 : memref<32x512xf32, #tpu.memory_space<vmem>>[vector<16xi32>, vector<16xi32>], vector<16xf32>,
        %add3A_354 = arith.constant 3 : i32
        %add3A_355 = vector.broadcast %add3A_354 : i32 to vector<16xi32>
        %add3A_356 = arith.addi %iota3A, %add3A_355 : vector<16xi32>
        %add3A_357 = arith.constant 0 : i32
        %add3A_358 = vector.broadcast %add3A_357 : i32 to vector<16xi32>
        %add3A_359 = arith.addi %add3A_356, %add3A_358 : vector<16xi32>
        %and3A_360 = arith.constant 31 : i32
        %and3A_361 = vector.broadcast %and3A_360 : i32 to vector<16xi32>
        %and3A_362 = arith.andi %add3A_359, %and3A_361 : vector<16xi32>
        %add3A_363 = arith.constant 3 : i32
        %add3A_364 = vector.broadcast %add3A_363 : i32 to vector<16xi32>
        %add3A_365 = arith.addi %iota3A, %add3A_364 : vector<16xi32>
        %add3A_366 = arith.constant 4 : i32
        %add3A_367 = vector.broadcast %add3A_366 : i32 to vector<16xi32>
        %add3A_368 = arith.addi %add3A_365, %add3A_367 : vector<16xi32>
        %and3A_369 = arith.constant 31 : i32
        %and3A_370 = vector.broadcast %and3A_369 : i32 to vector<16xi32>
        %and3A_371 = arith.andi %add3A_368, %and3A_370 : vector<16xi32>
        %add3A_372 = arith.constant 3 : i32
        %add3A_373 = vector.broadcast %add3A_372 : i32 to vector<16xi32>
        %add3A_374 = arith.addi %iota3A, %add3A_373 : vector<16xi32>
        %add3A_375 = arith.constant 8 : i32
        %add3A_376 = vector.broadcast %add3A_375 : i32 to vector<16xi32>
        %add3A_377 = arith.addi %add3A_374, %add3A_376 : vector<16xi32>
        %and3A_378 = arith.constant 31 : i32
        %and3A_379 = vector.broadcast %and3A_378 : i32 to vector<16xi32>
        %and3A_380 = arith.andi %add3A_377, %and3A_379 : vector<16xi32>
        %add3A_381 = arith.constant 3 : i32
        %add3A_382 = vector.broadcast %add3A_381 : i32 to vector<16xi32>
        %add3A_383 = arith.addi %iota3A, %add3A_382 : vector<16xi32>
        %add3A_384 = arith.constant 12 : i32
        %add3A_385 = vector.broadcast %add3A_384 : i32 to vector<16xi32>
        %add3A_386 = arith.addi %add3A_383, %add3A_385 : vector<16xi32>
        %and3A_387 = arith.constant 31 : i32
        %and3A_388 = vector.broadcast %and3A_387 : i32 to vector<16xi32>
        %and3A_389 = arith.andi %add3A_386, %and3A_388 : vector<16xi32>
        %add3A_390 = arith.constant 3 : i32
        %add3A_391 = vector.broadcast %add3A_390 : i32 to vector<16xi32>
        %add3A_392 = arith.addi %iota3A, %add3A_391 : vector<16xi32>
        %add3A_393 = arith.constant 16 : i32
        %add3A_394 = vector.broadcast %add3A_393 : i32 to vector<16xi32>
        %add3A_395 = arith.addi %add3A_392, %add3A_394 : vector<16xi32>
        %and3A_396 = arith.constant 31 : i32
        %and3A_397 = vector.broadcast %and3A_396 : i32 to vector<16xi32>
        %and3A_398 = arith.andi %add3A_395, %and3A_397 : vector<16xi32>
        %add3A_399 = arith.constant 3 : i32
        %add3A_400 = vector.broadcast %add3A_399 : i32 to vector<16xi32>
        %add3A_401 = arith.addi %iota3A, %add3A_400 : vector<16xi32>
        %add3A_402 = arith.constant 20 : i32
        %add3A_403 = vector.broadcast %add3A_402 : i32 to vector<16xi32>
        %add3A_404 = arith.addi %add3A_401, %add3A_403 : vector<16xi32>
        %and3A_405 = arith.constant 31 : i32
        %and3A_406 = vector.broadcast %and3A_405 : i32 to vector<16xi32>
        %and3A_407 = arith.andi %add3A_404, %and3A_406 : vector<16xi32>
        %add3A_408 = arith.constant 3 : i32
        %add3A_409 = vector.broadcast %add3A_408 : i32 to vector<16xi32>
        %add3A_410 = arith.addi %iota3A, %add3A_409 : vector<16xi32>
        %add3A_411 = arith.constant 24 : i32
        %add3A_412 = vector.broadcast %add3A_411 : i32 to vector<16xi32>
        %add3A_413 = arith.addi %add3A_410, %add3A_412 : vector<16xi32>
        %and3A_414 = arith.constant 31 : i32
        %and3A_415 = vector.broadcast %and3A_414 : i32 to vector<16xi32>
        %and3A_416 = arith.andi %add3A_413, %and3A_415 : vector<16xi32>
        %add3A_417 = arith.constant 3 : i32
        %add3A_418 = vector.broadcast %add3A_417 : i32 to vector<16xi32>
        %add3A_419 = arith.addi %iota3A, %add3A_418 : vector<16xi32>
        %add3A_420 = arith.constant 28 : i32
        %add3A_421 = vector.broadcast %add3A_420 : i32 to vector<16xi32>
        %add3A_422 = arith.addi %add3A_419, %add3A_421 : vector<16xi32>
        %and3A_423 = arith.constant 31 : i32
        %and3A_424 = vector.broadcast %and3A_423 : i32 to vector<16xi32>
        %and3A_425 = arith.andi %add3A_422, %and3A_424 : vector<16xi32>
        %add3A_426 = arith.addi %mul3A_91, %and3A_362 : vector<16xi32>
        %gather3A_427 = tpu.vector_load_idx %arg5[%add3A_426] : memref<14112xf32, #tpu.memory_space<vmem>>[vector<16xi32>], vector<16xf32>,
        %add3A_428 = arith.addi %mul3A_91, %and3A_371 : vector<16xi32>
        %gather3A_429 = tpu.vector_load_idx %arg5[%add3A_428] : memref<14112xf32, #tpu.memory_space<vmem>>[vector<16xi32>], vector<16xf32>,
        %add3A_430 = arith.addi %mul3A_91, %and3A_380 : vector<16xi32>
        %gather3A_431 = tpu.vector_load_idx %arg5[%add3A_430] : memref<14112xf32, #tpu.memory_space<vmem>>[vector<16xi32>], vector<16xf32>,
        %add3A_432 = arith.addi %mul3A_91, %and3A_389 : vector<16xi32>
        %gather3A_433 = tpu.vector_load_idx %arg5[%add3A_432] : memref<14112xf32, #tpu.memory_space<vmem>>[vector<16xi32>], vector<16xf32>,
        %add3A_434 = arith.addi %mul3A_91, %and3A_398 : vector<16xi32>
        %gather3A_435 = tpu.vector_load_idx %arg5[%add3A_434] : memref<14112xf32, #tpu.memory_space<vmem>>[vector<16xi32>], vector<16xf32>,
        %add3A_436 = arith.addi %mul3A_91, %and3A_407 : vector<16xi32>
        %gather3A_437 = tpu.vector_load_idx %arg5[%add3A_436] : memref<14112xf32, #tpu.memory_space<vmem>>[vector<16xi32>], vector<16xf32>,
        %add3A_438 = arith.addi %mul3A_91, %and3A_416 : vector<16xi32>
        %gather3A_439 = tpu.vector_load_idx %arg5[%add3A_438] : memref<14112xf32, #tpu.memory_space<vmem>>[vector<16xi32>], vector<16xf32>,
        %add3A_440 = arith.addi %mul3A_91, %and3A_425 : vector<16xi32>
        %gather3A_441 = tpu.vector_load_idx %arg5[%add3A_440] : memref<14112xf32, #tpu.memory_space<vmem>>[vector<16xi32>], vector<16xf32>,
        tpu.vector_store_idx %arg9[%and3A_362, %add3A_85], %gather3A_427 : memref<32x512xf32, #tpu.memory_space<vmem>>[vector<16xi32>, vector<16xi32>], vector<16xf32>,
        tpu.vector_store_idx %arg9[%and3A_371, %add3A_85], %gather3A_429 : memref<32x512xf32, #tpu.memory_space<vmem>>[vector<16xi32>, vector<16xi32>], vector<16xf32>,
        tpu.vector_store_idx %arg9[%and3A_380, %add3A_85], %gather3A_431 : memref<32x512xf32, #tpu.memory_space<vmem>>[vector<16xi32>, vector<16xi32>], vector<16xf32>,
        tpu.vector_store_idx %arg9[%and3A_389, %add3A_85], %gather3A_433 : memref<32x512xf32, #tpu.memory_space<vmem>>[vector<16xi32>, vector<16xi32>], vector<16xf32>,
        tpu.vector_store_idx %arg9[%and3A_398, %add3A_85], %gather3A_435 : memref<32x512xf32, #tpu.memory_space<vmem>>[vector<16xi32>, vector<16xi32>], vector<16xf32>,
        tpu.vector_store_idx %arg9[%and3A_407, %add3A_85], %gather3A_437 : memref<32x512xf32, #tpu.memory_space<vmem>>[vector<16xi32>, vector<16xi32>], vector<16xf32>,
        tpu.vector_store_idx %arg9[%and3A_416, %add3A_85], %gather3A_439 : memref<32x512xf32, #tpu.memory_space<vmem>>[vector<16xi32>, vector<16xi32>], vector<16xf32>,
        tpu.vector_store_idx %arg9[%and3A_425, %add3A_85], %gather3A_441 : memref<32x512xf32, #tpu.memory_space<vmem>>[vector<16xi32>, vector<16xi32>], vector<16xf32>,
      }
      %scan3A_69 = arith.constant 32 : i32
      %mul3A_70 = arith.constant 32 : i32
      %mul3A_71 = arith.muli %add3A_54, %mul3A_70 : i32
      %dma_start3A_72 = tpu.memref_slice %arg4[%mul3A_71, %mul3A_2] : memref<1600x16384xf32, #tpu.memory_space<hbm>> -> memref<32x512xf32, #tpu.memory_space<hbm>>
      %dma_start3A_73 = tpu.memref_slice %arg4[%mul3A_71, %mul3A_2] : memref<1600x16384xf32, #tpu.memory_space<hbm>> -> memref<32x512xf32, #tpu.memory_space<hbm>>
      tpu.enqueue_dma source(%arg9 : memref<32x512xf32, #tpu.memory_space<vmem>>) target(%dma_start3A_73 : memref<32x512xf32, #tpu.memory_space<hbm>>) target_semaphore(%arg13 : memref<!tpu.dma_semaphore, #tpu.memory_space<semaphore_mem>>)
      %add3A_74 = arith.constant 2 : i32
      %add3A_75 = arith.addi %add3A_54, %add3A_74 : i32
      %lt3A_76 = arith.constant 50 : i32
      %lt3A_77 = arith.cmpi slt, %add3A_75, %lt3A_76 : i32
      %convert_element_type3A_78 = arith.extui %lt3A_77 : i1 to i32
      %cond3A_79 = arith.constant 0 : i32
      %cond3A_80 = arith.cmpi ne, %convert_element_type3A_78, %cond3A_79 : i32
      scf.if %cond3A_80 {
        %add3A_81 = arith.constant 2 : i32
        %add3A_82 = arith.addi %add3A_54, %add3A_81 : i32
        %dma_start3A_83 = tpu.memref_slice %arg3[%add3A_82, %mul3A_2] : memref<50x16384xi32, #tpu.memory_space<hbm>> -> memref<1x512xi32, #tpu.memory_space<hbm>>
        %dma_start3A_84 = tpu.memref_squeeze %dma_start3A_83 : memref<1x512xi32, #tpu.memory_space<hbm>> -> memref<512xi32, #tpu.memory_space<hbm>>
        %dma_start3A_85 = tpu.memref_slice %arg3[%add3A_82, %mul3A_2] : memref<50x16384xi32, #tpu.memory_space<hbm>> -> memref<1x512xi32, #tpu.memory_space<hbm>>
        %dma_start3A_86 = tpu.memref_squeeze %dma_start3A_85 : memref<1x512xi32, #tpu.memory_space<hbm>> -> memref<512xi32, #tpu.memory_space<hbm>>
        tpu.enqueue_dma source(%dma_start3A_86 : memref<512xi32, #tpu.memory_space<hbm>>) target(%arg7 : memref<512xi32, #tpu.memory_space<vmem>>) target_semaphore(%arg11 : memref<!tpu.dma_semaphore, #tpu.memory_space<semaphore_mem>>)
      } else {
      }
    }
    %scan3A_16 = arith.constant 25 : i32
    %dma_wait3A = arith.constant 1536 : i32
    %dma_wait3A_17 = tpu.memref_slice %arg4[%dma_wait3A, %mul3A_2] : memref<1600x16384xf32, #tpu.memory_space<hbm>> -> memref<32x512xf32, #tpu.memory_space<hbm>>
    %dma_wait3A_18 = arith.constant 1536 : i32
    %dma_wait3A_19 = tpu.memref_slice %arg4[%dma_wait3A_18, %mul3A_2] : memref<1600x16384xf32, #tpu.memory_space<hbm>> -> memref<32x512xf32, #tpu.memory_space<hbm>>
    tpu.wait_dma2 semaphore(%arg12 : memref<!tpu.dma_semaphore, #tpu.memory_space<semaphore_mem>>) src(%arg8 : memref<32x512xf32, #tpu.memory_space<vmem>>) dst(%dma_wait3A_19 : memref<32x512xf32, #tpu.memory_space<hbm>>)
    %dma_wait3A_20 = arith.constant 1568 : i32
    %dma_wait3A_21 = tpu.memref_slice %arg4[%dma_wait3A_20, %mul3A_2] : memref<1600x16384xf32, #tpu.memory_space<hbm>> -> memref<32x512xf32, #tpu.memory_space<hbm>>
    %dma_wait3A_22 = arith.constant 1568 : i32
    %dma_wait3A_23 = tpu.memref_slice %arg4[%dma_wait3A_22, %mul3A_2] : memref<1600x16384xf32, #tpu.memory_space<hbm>> -> memref<32x512xf32, #tpu.memory_space<hbm>>
    tpu.wait_dma2 semaphore(%arg13 : memref<!tpu.dma_semaphore, #tpu.memory_space<semaphore_mem>>) src(%arg9 : memref<32x512xf32, #tpu.memory_space<vmem>>) dst(%dma_wait3A_23 : memref<32x512xf32, #tpu.memory_space<hbm>>)
    return
  }
}

module attributes {stable_mosaic.version = 14 : i64} {
  func.func @_idx_body(%arg0: i32, %arg1: memref<50x2048xf32, #tpu.memory_space<vmem>>, %arg2: memref<50x2048xf32, #tpu.memory_space<vmem>>, %arg3: memref<50x2048xi32, #tpu.memory_space<vmem>>) attributes {dimension_semantics = [#tpu.dimension_semantics<arbitrary>], iteration_bounds = array<i64: 8>, scalar_prefetch = 0 : i64, scratch_operands = 0 : i64, tpu.core_type = #tpu.core_type<tc>, window_params = [{transform_indices = @transform_0, window_bounds = array<i64: 50, 2048>}, {transform_indices = @transform_1, window_bounds = array<i64: 50, 2048>}, {transform_indices = @transform_2, window_bounds = array<i64: 50, 2048>}]} {
    %get3A = arith.constant 0 : index
    %get3A_0 = arith.constant 0 : index
    %get3A_1 = vector.load %arg1[%get3A, %get3A_0] : memref<50x2048xf32, #tpu.memory_space<vmem>>, vector<50x2048xf32>
    %get3A_2 = arith.constant 0 : index
    %get3A_3 = arith.constant 0 : index
    %get3A_4 = vector.load %arg2[%get3A_2, %get3A_3] : memref<50x2048xf32, #tpu.memory_space<vmem>>, vector<50x2048xf32>
    %mul3A = arith.mulf %get3A_1, %get3A_1 : vector<50x2048xf32>
    %mul3A_5 = arith.mulf %get3A_4, %get3A_4 : vector<50x2048xf32>
    %add3A = arith.addf %mul3A, %mul3A_5 : vector<50x2048xf32>
    %sqrt3A = math.sqrt %add3A : vector<50x2048xf32>
    %add3A_6 = arith.constant 1.000000e+00 : f32
    %add3A_7 = vector.broadcast %add3A_6 : f32 to vector<50x2048xf32>
    %add3A_8 = arith.addf %sqrt3A, %add3A_7 : vector<50x2048xf32>
    %log3A = math.log %add3A_8 : vector<50x2048xf32>
    %div3A = arith.constant 0.57565254 : f32
    %div3A_9 = vector.broadcast %div3A : f32 to vector<50x2048xf32>
    %div3A_10 = arith.divf %log3A, %div3A_9 : vector<50x2048xf32>
    %floor3A = math.floor %div3A_10 : vector<50x2048xf32>
    %atan23A = math.atan2 %get3A_4, %get3A_1 : vector<50x2048xf32>
    %add3A_11 = arith.constant 3.14159274 : f32
    %add3A_12 = vector.broadcast %add3A_11 : f32 to vector<50x2048xf32>
    %add3A_13 = arith.addf %atan23A, %add3A_12 : vector<50x2048xf32>
    %div3A_14 = arith.constant 0.392699093 : f32
    %div3A_15 = vector.broadcast %div3A_14 : f32 to vector<50x2048xf32>
    %div3A_16 = arith.divf %add3A_13, %div3A_15 : vector<50x2048xf32>
    %floor3A_17 = math.floor %div3A_16 : vector<50x2048xf32>
    %mul3A_18 = arith.constant 1.600000e+01 : f32
    %mul3A_19 = vector.broadcast %mul3A_18 : f32 to vector<50x2048xf32>
    %mul3A_20 = arith.mulf %floor3A, %mul3A_19 : vector<50x2048xf32>
    %add3A_21 = arith.addf %mul3A_20, %floor3A_17 : vector<50x2048xf32>
    %convert_element_type3A = arith.fptosi %add3A_21 : vector<50x2048xf32> to vector<50x2048xi32>
    %jit3A = arith.constant 0 : i32
    %jit3A_22 = arith.constant 440 : i32
    %max3A = vector.broadcast %jit3A : i32 to vector<50x2048xi32>
    %max3A_23 = arith.maxsi %max3A, %convert_element_type3A : vector<50x2048xi32>
    %min3A = vector.broadcast %jit3A_22 : i32 to vector<50x2048xi32>
    %min3A_24 = arith.minsi %min3A, %max3A_23 : vector<50x2048xi32>
    %swap3A = arith.constant 0 : index
    %swap3A_25 = arith.constant 0 : index
    %swap3A_26 = vector.load %arg3[%swap3A, %swap3A_25] : memref<50x2048xi32, #tpu.memory_space<vmem>>, vector<50x2048xi32>
    tpu.vector_store %arg3[%swap3A, %swap3A_25], %min3A_24 {strides = array<i32>} : memref<50x2048xi32, #tpu.memory_space<vmem>>, vector<50x2048xi32>,
    return
  }
  func.func @transform_0(%arg0: i32) -> (i32, i32) {
    %c0_i32 = arith.constant 0 : i32
    %c0_i32_0 = arith.constant 0 : i32
    return %c0_i32, %arg0 : i32, i32
  }
  func.func @transform_1(%arg0: i32) -> (i32, i32) {
    %c0_i32 = arith.constant 0 : i32
    %c0_i32_0 = arith.constant 0 : i32
    return %c0_i32, %arg0 : i32, i32
  }
  func.func @transform_2(%arg0: i32) -> (i32, i32) {
    %c0_i32 = arith.constant 0 : i32
    %c0_i32_0 = arith.constant 0 : i32
    return %c0_i32, %arg0 : i32, i32
  }
}

</mosaic_0001>

<sc_bundles>
// kernel: kernel.4.cloned.1.call-start
scs
__scs_entry_jumppad:
0x0: {  	(pc) =	sbr.rel $0x88, $3  }
0x1: {  	(tag) =	ssettag $0x0;
	lr =	simm.s32 $0x1  }
0x2: {  	[smem:$0x3F9F] =	sst lr;
	_ =	strace $0xD0000000  }
0x3: {  	_ = 	snop  }
0x4: {  	_ = 	snop  }
0x5: {  	_ = 	snop  }
0x6: {  	_ = 	snop  }
0x7: {  	_ = 	snop  }
__scs_overlays_trampoline_lowered:
0x8: {  	[smem:$0x3FAE] =	sst s0  }
0x9: {  	[smem:$0x3FAF] =	sst s1  }
0xa: {  	[smem:$0x3FB0] =	sst s2  }
0xb: {  	[smem:$0x3FB1] =	sst s3  }
0xc: {  	[smem:$0x3FB2] =	sst s4  }
0xd: {  	[smem:$0x3FB3] =	sst s5  }
0xe: {  	[smem:$0x3FB4] =	sst s6  }
0xf: {  	[smem:$0x3FB5] =	sst s7  }
0x10: {  	[smem:$0x3FB6] =	sst s8  }
0x11: {  	[smem:$0x3FB7] =	sst s9;
	s0 =	simm.s32 @!p0 $0x0  }
0x12: {  	s1 =	sld [smem:$0x3F9D];
	s0 =	simm.s32 @p0 $0x1  }
0x13: {  	[smem:$0x3FB8] =	sst s0;
	s0 =	simm.s32 @!p1 $0x0  }
0x14: {  	s2 =	sld [smem:$0x3F9C];
	s0 =	simm.s32 @p1 $0x1  }
0x15: {  	[smem:$0x3FB9] =	sst s0;
	s0 =	simm.s32 @!p2 $0x0  }
0x16: {  	s3 =	sld [smem:$0x3FDB];
	s0 =	simm.s32 @p2 $0x1  }
0x17: {  	s4 =	simm.s32 $0x1BF5;
	[smem:$0x3FBB] =	sst s0  }
0x18: {  	s0 =	sld [smem:$0x3F9E];
	_ =	swait.ge [sflag:s4], $0x0  }
0x19: {  	s7 =	sld [smem:$0x3F9F]  }
0x1a: {  	s8 =	sadd.s32 $0xFFFFE003, lr  }
0x1b: {  	s9 =	sadd.s32 $0xFFFFFEF7, lr;
	s5 =	simm.s32 $0xFFFFFFFF;
	p2 =	slt.u32 s8, $0xFFFFF086  }
0x1c: {  	p1 =	slt.u32 s9, $0xF7A;
	s5 =	simm.s32 @!p2 $0x0  }
0x1d: {  	s5 =	simm.s32 @p1 $0x1;
	p0 =	seq.s32 s7, s2  }
0x1e: {  	s7 =	smul.u32 @!p0 $0xF7A, s2;
	p2 =	seq.s32 @!p0 s5, $0x0  }
0x1f: {  	s9 =	smul.u32 $0xF7A, s1;
	s8 =	simm.s32 @!p0 $0x1BF5;
	p2 =	por !p2, p0  }
0x20: {  	[sflag:s8] =	ssyncset.s32 @!p0 $0xFFFFF086;
	s6 =	sadd.s32 @!p0 s3, s7;
	s7 =	simm.s32 @!p0 $0x108  }
0x21: {  	s3 =	sadd.s32 s3, s9;
	s6 =	sadd.s32 @!p0 $0x88, s6;
	s7 =	simm.s32 @p2 $0x1082  }
0x22: {  	[simem:s7], [sflag:s8] =	dma.local @!p0 [hbm:s6], $0xF7A  }
0x23: {  	s9 =	sor.u32 $0xD0000000, s2;
	s6 =	simm.s32 $0x108;
	_ =	swait.ge @!p0 [sflag:s8], $0x0  }
0x24: {  	s3 =	sadd.s32 $0x88, s3;
	s6 =	simm.s32 @!p1 $0x1082;
	[sflag:s4] =	ssyncset.s32 $0xFFFFF086  }
0x25: {  	[simem:s6], [sflag:s4] =	dma.local [hbm:s3], $0xF7A  }
0x26: {  	[smem:$0x3F9F] =	sst s1;
	(tag) =	ssettag s2;
	_ =	strace s9  }
0x27: {  	s1 =	sld [smem:$0x3FAF]  }
0x28: {  	s2 =	sld [smem:$0x3FB0]  }
0x29: {  	s4 =	sld [smem:$0x3FB2]  }
0x2a: {  	p0 =	seq.s32 s5, $0x0;
	s5 =	sld [smem:$0x3FB3]  }
0x2b: {  	s6 =	sld [smem:$0x3FB4]  }
0x2c: {  	s7 =	sld [smem:$0x3FB5]  }
0x2d: {  	s3 =	simm.s32 $0x108;
	s8 =	sld [smem:$0x3FB6]  }
0x2e: {  	s3 =	simm.s32 @!p0 $0x1082;
	s9 =	sld [smem:$0x3FB7]  }
0x2f: {  	lr =	sadd.s32 s0, s3;
	s0 =	sld [smem:$0x3FAE]  }
0x30: {  	s3 =	sld [smem:$0x3FB1]  }
0x31: {  	[smem:$0x3FBA] =	sst s10  }
0x32: {  	s10 =	sld [smem:$0x3FB8];
	_ =	sdelay $0x3  }
0x33: {  	p0 =	seq.s32 s10, $0x1;
	s10 =	sld [smem:$0x3FBA];
	_ =	sdelay $0x3  }
0x34: {  	[smem:$0x3FBA] =	sst s10  }
0x35: {  	s10 =	sld [smem:$0x3FB9];
	_ =	sdelay $0x3  }
0x36: {  	p1 =	seq.s32 s10, $0x1;
	s10 =	sld [smem:$0x3FBA];
	_ =	sdelay $0x3  }
0x37: {  	[smem:$0x3FBA] =	sst s10  }
0x38: {  	s10 =	sld [smem:$0x3FBB]  }
0x39: {  	_ = 	snop;
	(pc) =	sbr.ind lr, $3  }
0x3a: {  	_ = 	snop  }
0x3b: {  	_ = 	snop  }
0x3c: {  	p2 =	seq.s32 s10, $0x1;
	s10 =	sld [smem:$0x3FBA]  }
0x3d: {  	_ =	shalt  }
0x3e: {  	_ =	shalt  }
0x3f: {  	_ =	shalt  }
0x40: {  	_ =	shalt  }
0x41: {  	_ =	shalt  }
0x42: {  	_ =	shalt  }
0x43: {  	_ =	shalt  }
0x44: {  	_ =	shalt  }
0x45: {  	_ =	shalt  }
0x46: {  	_ =	shalt  }
0x47: {  	_ =	shalt  }
0x48: {  	_ =	shalt  }
0x49: {  	_ =	shalt  }
0x4a: {  	_ =	shalt  }
0x4b: {  	_ =	shalt  }
0x4c: {  	_ =	shalt  }
0x4d: {  	_ =	shalt  }
0x4e: {  	_ =	shalt  }
0x4f: {  	_ =	shalt  }
0x50: {  	_ =	shalt  }
0x51: {  	_ =	shalt  }
0x52: {  	_ =	shalt  }
0x53: {  	_ =	shalt  }
0x54: {  	_ =	shalt  }
0x55: {  	_ =	shalt  }
0x56: {  	_ =	shalt  }
0x57: {  	_ =	shalt  }
0x58: {  	_ =	shalt  }
0x59: {  	_ =	shalt  }
0x5a: {  	_ =	shalt  }
0x5b: {  	_ =	shalt  }
0x5c: {  	_ =	shalt  }
0x5d: {  	_ =	shalt  }
0x5e: {  	_ =	shalt  }
0x5f: {  	_ =	shalt  }
0x60: {  	_ =	shalt  }
0x61: {  	_ =	shalt  }
0x62: {  	_ =	shalt  }
0x63: {  	_ =	shalt  }
0x64: {  	_ =	shalt  }
0x65: {  	_ =	shalt  }
0x66: {  	_ =	shalt  }
0x67: {  	_ =	shalt  }
0x68: {  	_ =	shalt  }
0x69: {  	_ =	shalt  }
0x6a: {  	_ =	shalt  }
0x6b: {  	_ =	shalt  }
0x6c: {  	_ =	shalt  }
0x6d: {  	_ =	shalt  }
0x6e: {  	_ =	shalt  }
0x6f: {  	_ =	shalt  }
0x70: {  	_ =	shalt  }
0x71: {  	_ =	shalt  }
0x72: {  	_ =	shalt  }
0x73: {  	_ =	shalt  }
0x74: {  	_ =	shalt  }
0x75: {  	_ =	shalt  }
0x76: {  	_ =	shalt  }
0x77: {  	_ =	shalt  }
0x78: {  	_ =	shalt  }
0x79: {  	_ =	shalt  }
0x7a: {  	_ =	shalt  }
0x7b: {  	_ =	shalt  }
0x7c: {  	_ =	shalt  }
0x7d: {  	_ =	shalt  }
0x7e: {  	_ =	shalt  }
0x7f: {  	_ =	shalt  }
0x80: {  	_ =	shalt  }
0x81: {  	_ =	shalt  }
0x82: {  	_ =	shalt  }
0x83: {  	_ =	shalt  }
0x84: {  	_ =	shalt  }
0x85: {  	_ =	shalt  }
0x86: {  	_ =	shalt  }
0x87: {  	_ =	shalt  }
.Lfunc_end0:
.L_simem_size_0:
called_computation_lowered:
.L_overlay_start_0:
0x88: {  	s2 =	sld [smem:$0x3FD9]  }
0x89: {  	s3 =	sld [smem:$0x3FFE];
	_ =	sdelay $0x1  }
0x8a: {  	s1 =	srdreg.scid  }
0x8b: {  	s0 =	sand.u32 $0x1, s1  }
0x8c: {  	s17 =	sshll.u32 s0, $0xA;
	s2 =	sadd.s32 s3, s2  }
0x8d: {  	s2 =	sadd.s32 s2, s17  }
0x8e: {  	[smem:$0x3FC6] =	sst s2  }
0x8f: {  	_ = 	snop  }
0x90: {  	s2 =	sld [smem:$0x3FD0];
	(tm) =	ssettm $0x1  }
0x91: {  	s18 =	sld [smem:$0x3FFB];
	_ =	sdelay $0x3  }
0x92: {  	_ =	strace s18  }
0x93: {  	s3 =	sld [smem:$0x3FFC];
	_ =	sdelay $0x3  }
0x94: {  	_ =	strace s3  }
0x95: {  	s3 =	sld [smem:$0x3FFD];
	_ =	sdelay $0x3  }
0x96: {  	_ =	strace s3  }
0x97: {  	_ =	strace $0x8FFFFFFF  }
0x98: {  	s19 =	sld [smem:$0x3FDB];
	_ =	sdelay $0x1  }
0x99: {  	s4 =	simm.s32 $_scs_section_size  }
0x9a: {  	s5 =	simm.s32 $_size__tile_overlayer_lowered;
	s6 =	simm.s32 $_tile_overlayer_lowered  }
0x9b: {  	s22 =	simm.s32 $0x1BFF;
	s21 =	sshll.u32 s6, $0x1;
	s3 =	sadd.s32 s4, s19  }
0x9c: {  	s7 =	simm.s32 $0x0;
	s20 =	sshll.u32 s5, $0x1;
	s5 =	sadd.s32 s21, s3  }
0x9d: {  	[timem:s7], [sflag:s22] =	dma.local [hbm:s5], s20  }
0x9e: {  	_ =	swait.ge [sflag:s22], s20  }
0x9f: {  	s4 =	ssub.s32 $0x0, s20;
	[sflag:s22] =	ssyncset.done $0x0  }
0xa0: {  	[sflag:s22] =	ssyncadd.s32 s4;
	_ =	sdelay $0x1  }
0xa1: {  	s23 =	simm.s32 $0x1B8B  }
0xa2: {  	_ =	swait.ge [sflag:s23], $0x1  }
0xa3: {  	[sflag:s23] =	ssyncset.done $0x0  }
0xa4: {  	s25 =	simm.s32 $0x1B8E;
	s24 =	sld [smem:$0x3FFE];
	[sflag:s23] =	ssyncadd.s32 $0xFFFFFFFF  }
0xa5: {  	s26 =	simm.s32 $execute0_lowered;
	[smem:$0x3FD2] =	sst s25  }
0xa6: {  	s5 =	sshll.u32 s26, $0x1;
	_ =	strace $0x80000046;
	[dreg:$0x1] =	wrdreg $0xFFFFFFFF  }
0xa7: {  	s28 =	simm.s32 $_size_execute0_lowered;
	s3 =	sadd.s32 s3, s5;
	[dreg:$0x0] =	wrdreg $0x0  }
0xa8: {  	s5 =	sshll.u32 s28, $0x1;
	[dreg:$0x2] =	wrdreg s3  }
0xa9: {  	[dreg:$0x3] =	wrdreg s5  }
0xaa: {  	[dreg:$0x4] =	wrdreg $0xC0  }
0xab: {  	_ =	task [dreg:s7], $0x5FFFF  }
0xac: {  	[dreg:$0x1] =	wrdreg $0xFFFFFFFF  }
0xad: {  	[dreg:$0x0] =	wrdreg $0x60  }
0xae: {  	[dreg:$0x2] =	wrdreg s24  }
0xaf: {  	[dreg:$0x3] =	wrdreg s2  }
0xb0: {  	[dreg:$0x4] =	wrdreg $0x9  }
0xb1: {  	_ =	task.clear_ibuf [dreg:s7], $0x5FFFF;
	_ =	strace $0x90000046  }
0xb2: {  	s29 =	simm.s32 $0x9;
	_ =	strace $0x80000048  }
0xb3: {  	_ =	swait.ge [sflag:s29], $0x1  }
0xb4: {  	[sflag:s29] =	ssyncadd.s32 $0xFFFFFFFF  }
0xb5: {  	_ =	strace $0x90000048  }
0xb6: {  	_ =	sfence  }
0xb7: {  	s30 =	sld [smem:$0x0];
	_ =	sdelay $0x2  }
0xb8: {  	s31 =	sshll.u32 s1, $0xD;
	s1 =	sshrl.u32 s1, $0x2  }
0xb9: {  	s3 =	sand.u32 $0x4000, s31;
	s1 =	sadd.s32 s1, s30  }
0xba: {  	s0 =	sor.u32 s3, s0;
	s1 =	sshll.u32 s1, $0x11  }
0xbb: {  	s0 =	sor.u32 s1, s0  }
0xbc: {  	s0 =	sadd.s32 $0x8F2B, s0  }
0xbd: {  	[sflag:s0] =	ssyncadd.remote.s32 $0x1  }
0xbe: {  	_ =	sfence.sel $0xFFFF  }
0xbf: {  	[dreg:$0x0] =	wrdreg $0xFFFFFFFF;
	(pc) =	sbr.abs _section_cstart, $3  }
0xc0: {  	[dreg:$0x1] =	wrdreg $0xFFFFFFFF  }
0xc1: {  	_ =	task.clear_ibuf [dreg:s7], $0x2FFFF;
	_ =	strace $0x9FFFFFFF  }
0xc2: {  	(tm) =	ssettm $0x7FFFFFFF  }
0xc3: {  	_ =	shalt  }
tec
execute0_lowered:
.L_overlay_start_1:
0x0: {  	(tag) =	ssettag $0x1  }
0x1: {  	v1 =	vlaneseq.u32  }
0x2: {  	v0 =	vimm.s32 $0x32107654;
	v34 =	vimm.s32 $0x3020100;
	v35 =	vimm.s32 $0x1F1E1D1C  }
0x3: {  	v3 =	vimm.s32 $0x17161514;
	vm0 =	vcmask $0x2F10;
	v37 =	vimm.s32 $0xB0A0908  }
0x4: {  	v38 =	vimm.s32 $0x43218765;
	v39 =	vimm.s32 $0x54329876;
	v4 =	vimm.s32 $0x6543A987  }
0x5: {  	v5 =	vimm.s32 $0x1F1E1D;
	v40 =	vimm.s32 $0x1001F1E;
	v6 =	vimm.s32 $0x201001F  }
0x6: {  	v41 =	vimm.s32 $0xC0B0A09;
	v42 =	vimm.s32 $0xD0C0B0A;
	v43 =	vimm.s32 $0xE0D0C0B  }
0x7: {  	v47 =	vimm.s32 $0x1380;
	v48 =	vimm.s32 $0x2180;
	v49 =	vimm.s32 $0x2380  }
0x8: {  	v50 =	vimm.s32 $0x3180;
	v51 =	vimm.s32 $0x3380;
	v52 =	vimm.s32 $0x180  }
0x9: {  	v17 =	vimm.s32 $0x380;
	v18 =	vimm.s32 $0x1180;
	v19 =	vimm.s32 $0x2000  }
0xa: {  	v20 =	vimm.s32 $0x2200;
	v21 =	vimm.s32 $0x3000;
	v22 =	vimm.s32 $0x3200  }
0xb: {  	v23 =	vimm.s32 $0x0;
	v24 =	vimm.s32 $0x200;
	v25 =	vimm.s32 $0x1000  }
0xc: {  	v26 =	vimm.s32 $0x1200;
	v27 =	vimm.s32 $0x2080;
	v28 =	vimm.s32 $0x2280  }
0xd: {  	v29 =	vimm.s32 $0x3080;
	v30 =	vimm.s32 $0x3280;
	v31 =	vimm.s32 $0x80  }
0xe: {  	v2 =	vadd.s32 $0x4, v1;
	v32 =	vadd.s32 $0x8, v1;
	v0 =	vunpack.c.l.s4.s8 v0  }
0xf: {  	v33 =	vadd.s32 $0xC, v1;
	v1 =	vor.u32 $0x10, v1;
	v36 =	vunpack.c.0.s8.s32 v3  }
0x10: {  	v3 =	vunpack.c.l.s4.s8 v39;
	v4 =	vunpack.c.l.s4.s8 v4;
	v7 =	vunpack.c.0.s8.s32 v5  }
0x11: {  	v5 =	vunpack.c.0.s8.s32 v40;
	v10 =	vunpack.c.0.s8.s32 v6;
	v8 =	vunpack.c.0.s8.s32 v42  }
0x12: {  	v9 =	vunpack.c.0.s8.s32 v43;
	v6 =	vimm.s32 $0x1B1A1918;
	v39 =	vimm.s32 $0x100;
	[tilespmem:$0x1FBB0] =	vst v2  }
0x13: {  	v40 =	vimm.s32 $0x300;
	v42 =	vimm.s32 $0x1300;
	[tilespmem:$0x1FBC0] =	vst v32;
	v0 =	vunpack.c.0.s8.s32 v0  }
0x14: {  	[tilespmem:$0x1FBE0] =	vst v1;
	v1 =	vunpack.c.0.s8.s32 v34;
	v2 =	vunpack.c.0.s8.s32 v35;
	v32 =	vimm.s32 $0x280  }
0x15: {  	[tilespmem:$0x1FBD0] =	vst v33;
	v33 =	vimm.s32 $0x1080;
	v34 =	vimm.s32 $0x1280;
	v0 =	vand.u32 $0xF, v0  }
0x16: {  	v3 =	vunpack.c.0.s8.s32 v3;
	[tilespmem:$0x1FC30] =	vst v2;
	v0 =	vsel vm0, v0, v2;
	v2 =	vunpack.c.l.s4.s8 v38  }
0x17: {  	v35 =	vimm.s32 $0x2100;
	[tilespmem:$0x1FC50] =	vst v36;
	v4 =	vunpack.c.0.s8.s32 v4;
	v36 =	vimm.s32 $0x2300  }
0x18: {  	[tilespmem:$0x1FC40] =	vst v1;
	v1 =	vunpack.c.0.s8.s32 v37;
	v3 =	vand.u32 $0xF, v3;
	v2 =	vunpack.c.0.s8.s32 v2  }
0x19: {  	v37 =	vimm.s32 $0x3100;
	v4 =	vand.u32 $0xF, v4;
	v3 =	vsel vm0, v3, v5  }
0x1a: {  	[tilespmem:$0x1FCE0] =	vst v5;
	v4 =	vsel vm0, v4, v10;
	v5 =	vunpack.c.0.s8.s32 v41;
	v2 =	vand.u32 $0xF, v2  }
0x1b: {  	v38 =	vimm.s32 $0x3300;
	v2 =	vsel vm0, v2, v7;
	vm0 =	vcmask $0x3F30  }
0x1c: {  	v41 =	vimm.s32 $0x1100;
	v0 =	vsel vm0, v1, v0;
	v44 =	vsel vm0, v5, v2  }
0x1d: {  	v45 =	vsel vm0, v8, v3;
	v46 =	vsel vm0, v9, v4;
	vm0 =	vcmask $0x300  }
0x1e: {  	[tilespmem:$0x1FBF0] =	vst v0;
	v0 =	vsel vm0, $0x0, v47;
	v1 =	vsel vm0, $0x200, v48;
	v2 =	vsel vm0, $0x1000, v49  }
0x1f: {  	v3 =	vsel vm0, $0x1200, v50;
	v4 =	vsel vm0, $0x2000, v51;
	v5 =	vsel vm0, $0x2200, v52  }
0x20: {  	v17 =	vsel vm0, $0x3000, v17;
	v18 =	vsel vm0, $0x3200, v18;
	v19 =	vsel vm0, $0x80, v19  }
0x21: {  	v20 =	vsel vm0, $0x280, v20;
	v21 =	vsel vm0, $0x1080, v21;
	v22 =	vsel vm0, $0x1280, v22  }
0x22: {  	v23 =	vsel vm0, $0x2080, v23;
	v24 =	vsel vm0, $0x2280, v24;
	v25 =	vsel vm0, $0x3080, v25  }
0x23: {  	v26 =	vsel vm0, $0x3280, v26;
	v27 =	vsel vm0, $0x100, v27;
	v28 =	vsel vm0, $0x300, v28  }
0x24: {  	v29 =	vsel vm0, $0x1100, v29;
	v30 =	vsel vm0, $0x1300, v30;
	v31 =	vsel vm0, $0x2100, v31  }
0x25: {  	v32 =	vsel vm0, $0x2300, v32;
	v33 =	vsel vm0, $0x3100, v33;
	v34 =	vsel vm0, $0x3300, v34  }
0x26: {  	v35 =	vsel vm0, $0x180, v35;
	v36 =	vsel vm0, $0x380, v36;
	v37 =	vsel vm0, $0x1180, v37  }
0x27: {  	v38 =	vsel vm0, $0x1380, v38;
	v39 =	vsel vm0, $0x2180, v39;
	v40 =	vsel vm0, $0x2380, v40  }
0x28: {  	v41 =	vsel vm0, $0x3180, v41;
	v42 =	vsel vm0, $0x3380, v42;
	vm0 =	vcmask $0x704  }
0x29: {  	v0 =	vsel vm0, $0x80, v0;
	v1 =	vsel vm0, $0x280, v1;
	v2 =	vsel vm0, $0x1080, v2  }
0x2a: {  	v3 =	vsel vm0, $0x1280, v3;
	v4 =	vsel vm0, $0x2080, v4;
	v5 =	vsel vm0, $0x2280, v5  }
0x2b: {  	v17 =	vsel vm0, $0x3080, v17;
	v18 =	vsel vm0, $0x3280, v18;
	v19 =	vsel vm0, $0x100, v19  }
0x2c: {  	v20 =	vsel vm0, $0x300, v20;
	v21 =	vsel vm0, $0x1100, v21;
	v22 =	vsel vm0, $0x1300, v22  }
0x2d: {  	v23 =	vsel vm0, $0x2100, v23;
	v24 =	vsel vm0, $0x2300, v24;
	v25 =	vsel vm0, $0x3100, v25  }
0x2e: {  	v26 =	vsel vm0, $0x3300, v26;
	v27 =	vsel vm0, $0x180, v27;
	v28 =	vsel vm0, $0x380, v28  }
0x2f: {  	v29 =	vsel vm0, $0x1180, v29;
	v30 =	vsel vm0, $0x1380, v30;
	v31 =	vsel vm0, $0x2180, v31  }
0x30: {  	v32 =	vsel vm0, $0x2380, v32;
	v33 =	vsel vm0, $0x3180, v33;
	v34 =	vsel vm0, $0x3380, v34  }
0x31: {  	v35 =	vsel vm0, $0x200, v35;
	v36 =	vsel vm0, $0x1000, v36;
	v37 =	vsel vm0, $0x1200, v37  }
0x32: {  	v38 =	vsel vm0, $0x2000, v38;
	v39 =	vsel vm0, $0x2200, v39;
	v40 =	vsel vm0, $0x3000, v40  }
0x33: {  	v41 =	vsel vm0, $0x3200, v41;
	v42 =	vsel vm0, $0x0, v42;
	vm0 =	vcmask $0xB08  }
0x34: {  	v0 =	vsel vm0, $0x100, v0;
	v1 =	vsel vm0, $0x300, v1;
	v2 =	vsel vm0, $0x1100, v2  }
0x35: {  	v3 =	vsel vm0, $0x1300, v3;
	v4 =	vsel vm0, $0x2100, v4;
	v5 =	vsel vm0, $0x2300, v5  }
0x36: {  	v17 =	vsel vm0, $0x3100, v17;
	v18 =	vsel vm0, $0x3300, v18;
	v19 =	vsel vm0, $0x180, v19  }
0x37: {  	v20 =	vsel vm0, $0x380, v20;
	v21 =	vsel vm0, $0x1180, v21;
	v22 =	vsel vm0, $0x1380, v22  }
0x38: {  	v23 =	vsel vm0, $0x2180, v23;
	v24 =	vsel vm0, $0x2380, v24;
	v25 =	vsel vm0, $0x3180, v25  }
0x39: {  	v26 =	vsel vm0, $0x3380, v26;
	v27 =	vsel vm0, $0x200, v27;
	v28 =	vsel vm0, $0x1000, v28  }
0x3a: {  	v29 =	vsel vm0, $0x1200, v29;
	v30 =	vsel vm0, $0x2000, v30;
	v31 =	vsel vm0, $0x2200, v31  }
0x3b: {  	v32 =	vsel vm0, $0x3000, v32;
	v33 =	vsel vm0, $0x3200, v33;
	v34 =	vsel vm0, $0x0, v34  }
0x3c: {  	v35 =	vsel vm0, $0x280, v35;
	v36 =	vsel vm0, $0x1080, v36;
	v37 =	vsel vm0, $0x1280, v37  }
0x3d: {  	v38 =	vsel vm0, $0x2080, v38;
	v39 =	vsel vm0, $0x2280, v39;
	v40 =	vsel vm0, $0x3080, v40  }
0x3e: {  	v41 =	vsel vm0, $0x3280, v41;
	v42 =	vsel vm0, $0x80, v42;
	vm0 =	vcmask $0xF0C  }
0x3f: {  	v0 =	vsel vm0, $0x180, v0;
	v1 =	vsel vm0, $0x380, v1;
	v2 =	vsel vm0, $0x1180, v2  }
0x40: {  	v3 =	vsel vm0, $0x1380, v3;
	v4 =	vsel vm0, $0x2180, v4;
	v5 =	vsel vm0, $0x2380, v5  }
0x41: {  	v17 =	vsel vm0, $0x3180, v17;
	v18 =	vsel vm0, $0x3380, v18;
	v19 =	vsel vm0, $0x200, v19  }
0x42: {  	v20 =	vsel vm0, $0x1000, v20;
	v21 =	vsel vm0, $0x1200, v21;
	v22 =	vsel vm0, $0x2000, v22  }
0x43: {  	v23 =	vsel vm0, $0x2200, v23;
	v24 =	vsel vm0, $0x3000, v24;
	v25 =	vsel vm0, $0x3200, v25  }
0x44: {  	v26 =	vsel vm0, $0x0, v26;
	v27 =	vsel vm0, $0x280, v27;
	v28 =	vsel vm0, $0x1080, v28  }
0x45: {  	v29 =	vsel vm0, $0x1280, v29;
	v30 =	vsel vm0, $0x2080, v30;
	v31 =	vsel vm0, $0x2280, v31  }
0x46: {  	v32 =	vsel vm0, $0x3080, v32;
	v33 =	vsel vm0, $0x3280, v33;
	v34 =	vsel vm0, $0x80, v34  }
0x47: {  	v35 =	vsel vm0, $0x300, v35;
	v36 =	vsel vm0, $0x1100, v36;
	v37 =	vsel vm0, $0x1300, v37  }
0x48: {  	v38 =	vsel vm0, $0x2100, v38;
	v39 =	vsel vm0, $0x2300, v39;
	v40 =	vsel vm0, $0x3100, v40  }
0x49: {  	v41 =	vsel vm0, $0x3300, v41;
	v42 =	vsel vm0, $0x100, v42;
	vm0 =	vcmask $0x1310  }
0x4a: {  	v0 =	vsel vm0, $0x200, v0;
	v1 =	vsel vm0, $0x1000, v1;
	v2 =	vsel vm0, $0x1200, v2  }
0x4b: {  	v3 =	vsel vm0, $0x2000, v3;
	v4 =	vsel vm0, $0x2200, v4;
	v5 =	vsel vm0, $0x3000, v5  }
0x4c: {  	v17 =	vsel vm0, $0x3200, v17;
	v18 =	vsel vm0, $0x0, v18;
	v19 =	vsel vm0, $0x280, v19  }
0x4d: {  	v20 =	vsel vm0, $0x1080, v20;
	v21 =	vsel vm0, $0x1280, v21;
	v22 =	vsel vm0, $0x2080, v22  }
0x4e: {  	v23 =	vsel vm0, $0x2280, v23;
	v24 =	vsel vm0, $0x3080, v24;
	v25 =	vsel vm0, $0x3280, v25  }
0x4f: {  	v26 =	vsel vm0, $0x80, v26;
	v27 =	vsel vm0, $0x300, v27;
	v28 =	vsel vm0, $0x1100, v28  }
0x50: {  	v29 =	vsel vm0, $0x1300, v29;
	v30 =	vsel vm0, $0x2100, v30;
	v31 =	vsel vm0, $0x2300, v31  }
0x51: {  	v32 =	vsel vm0, $0x3100, v32;
	v33 =	vsel vm0, $0x3300, v33;
	v34 =	vsel vm0, $0x100, v34  }
0x52: {  	v35 =	vsel vm0, $0x380, v35;
	v36 =	vsel vm0, $0x1180, v36;
	v37 =	vsel vm0, $0x1380, v37  }
0x53: {  	v38 =	vsel vm0, $0x2180, v38;
	v39 =	vsel vm0, $0x2380, v39;
	v40 =	vsel vm0, $0x3180, v40  }
0x54: {  	v41 =	vsel vm0, $0x3380, v41;
	v42 =	vsel vm0, $0x180, v42;
	vm0 =	vcmask $0x1714  }
0x55: {  	v0 =	vsel vm0, $0x280, v0;
	v1 =	vsel vm0, $0x1080, v1;
	v2 =	vsel vm0, $0x1280, v2  }
0x56: {  	v3 =	vsel vm0, $0x2080, v3;
	v4 =	vsel vm0, $0x2280, v4;
	v5 =	vsel vm0, $0x3080, v5  }
0x57: {  	v17 =	vsel vm0, $0x3280, v17;
	v18 =	vsel vm0, $0x80, v18;
	v19 =	vsel vm0, $0x300, v19  }
0x58: {  	v20 =	vsel vm0, $0x1100, v20;
	v21 =	vsel vm0, $0x1300, v21;
	v22 =	vsel vm0, $0x2100, v22  }
0x59: {  	v23 =	vsel vm0, $0x2300, v23;
	v24 =	vsel vm0, $0x3100, v24;
	v25 =	vsel vm0, $0x3300, v25  }
0x5a: {  	v26 =	vsel vm0, $0x100, v26;
	v27 =	vsel vm0, $0x380, v27;
	v28 =	vsel vm0, $0x1180, v28  }
0x5b: {  	v29 =	vsel vm0, $0x1380, v29;
	v30 =	vsel vm0, $0x2180, v30;
	v31 =	vsel vm0, $0x2380, v31  }
0x5c: {  	v32 =	vsel vm0, $0x3180, v32;
	v33 =	vsel vm0, $0x3380, v33;
	v34 =	vsel vm0, $0x180, v34  }
0x5d: {  	v35 =	vsel vm0, $0x1000, v35;
	v36 =	vsel vm0, $0x1200, v36;
	v37 =	vsel vm0, $0x2000, v37  }
0x5e: {  	v38 =	vsel vm0, $0x2200, v38;
	v39 =	vsel vm0, $0x3000, v39;
	v40 =	vsel vm0, $0x3200, v40  }
0x5f: {  	v41 =	vsel vm0, $0x0, v41;
	v42 =	vsel vm0, $0x200, v42;
	vm0 =	vcmask $0x1B18  }
0x60: {  	v0 =	vsel vm0, $0x300, v0;
	v1 =	vsel vm0, $0x1100, v1;
	v2 =	vsel vm0, $0x1300, v2  }
0x61: {  	v3 =	vsel vm0, $0x2100, v3;
	v4 =	vsel vm0, $0x2300, v4;
	v5 =	vsel vm0, $0x3100, v5  }
0x62: {  	v17 =	vsel vm0, $0x3300, v17;
	v18 =	vsel vm0, $0x100, v18;
	v19 =	vsel vm0, $0x380, v19  }
0x63: {  	v20 =	vsel vm0, $0x1180, v20;
	v21 =	vsel vm0, $0x1380, v21;
	v22 =	vsel vm0, $0x2180, v22  }
0x64: {  	v23 =	vsel vm0, $0x2380, v23;
	v24 =	vsel vm0, $0x3180, v24;
	v25 =	vsel vm0, $0x3380, v25  }
0x65: {  	v26 =	vsel vm0, $0x180, v26;
	v27 =	vsel vm0, $0x1000, v27;
	v28 =	vsel vm0, $0x1200, v28  }
0x66: {  	v29 =	vsel vm0, $0x2000, v29;
	v30 =	vsel vm0, $0x2200, v30;
	v31 =	vsel vm0, $0x3000, v31  }
0x67: {  	v32 =	vsel vm0, $0x3200, v32;
	v33 =	vsel vm0, $0x0, v33;
	v34 =	vsel vm0, $0x200, v34  }
0x68: {  	v35 =	vsel vm0, $0x1080, v35;
	v36 =	vsel vm0, $0x1280, v36;
	v37 =	vsel vm0, $0x2080, v37  }
0x69: {  	v38 =	vsel vm0, $0x2280, v38;
	v39 =	vsel vm0, $0x3080, v39;
	v40 =	vsel vm0, $0x3280, v40  }
0x6a: {  	v41 =	vsel vm0, $0x80, v41;
	v42 =	vsel vm0, $0x280, v42;
	vm0 =	vcmask $0x1F1C  }
0x6b: {  	v0 =	vsel vm0, $0x380, v0;
	v1 =	vsel vm0, $0x1180, v1;
	v2 =	vsel vm0, $0x1380, v2  }
0x6c: {  	v3 =	vsel vm0, $0x2180, v3;
	v4 =	vsel vm0, $0x2380, v4;
	v5 =	vsel vm0, $0x3180, v5  }
0x6d: {  	v17 =	vsel vm0, $0x3380, v17;
	v18 =	vsel vm0, $0x180, v18;
	v19 =	vsel vm0, $0x1000, v19  }
0x6e: {  	v20 =	vsel vm0, $0x1200, v20;
	v21 =	vsel vm0, $0x2000, v21;
	v22 =	vsel vm0, $0x2200, v22  }
0x6f: {  	v23 =	vsel vm0, $0x3000, v23;
	v24 =	vsel vm0, $0x3200, v24;
	v25 =	vsel vm0, $0x0, v25  }
0x70: {  	v26 =	vsel vm0, $0x200, v26;
	v27 =	vsel vm0, $0x1080, v27;
	v28 =	vsel vm0, $0x1280, v28  }
0x71: {  	v29 =	vsel vm0, $0x2080, v29;
	v30 =	vsel vm0, $0x2280, v30;
	v31 =	vsel vm0, $0x3080, v31  }
0x72: {  	v32 =	vsel vm0, $0x3280, v32;
	v33 =	vsel vm0, $0x80, v33;
	v34 =	vsel vm0, $0x280, v34  }
0x73: {  	v35 =	vsel vm0, $0x1100, v35;
	v36 =	vsel vm0, $0x1300, v36;
	v37 =	vsel vm0, $0x2100, v37  }
0x74: {  	v38 =	vsel vm0, $0x2300, v38;
	v39 =	vsel vm0, $0x3100, v39;
	v40 =	vsel vm0, $0x3300, v40  }
0x75: {  	v41 =	vsel vm0, $0x100, v41;
	v42 =	vsel vm0, $0x300, v42;
	vm0 =	vcmask $0x2320  }
0x76: {  	v0 =	vsel vm0, $0x1000, v0;
	v1 =	vsel vm0, $0x1200, v1;
	v2 =	vsel vm0, $0x2000, v2  }
0x77: {  	v3 =	vsel vm0, $0x2200, v3;
	v4 =	vsel vm0, $0x3000, v4;
	v5 =	vsel vm0, $0x3200, v5  }
0x78: {  	v17 =	vsel vm0, $0x0, v17;
	v18 =	vsel vm0, $0x200, v18;
	v19 =	vsel vm0, $0x1080, v19  }
0x79: {  	v20 =	vsel vm0, $0x1280, v20;
	v21 =	vsel vm0, $0x2080, v21;
	v22 =	vsel vm0, $0x2280, v22  }
0x7a: {  	v23 =	vsel vm0, $0x3080, v23;
	v24 =	vsel vm0, $0x3280, v24;
	v25 =	vsel vm0, $0x80, v25  }
0x7b: {  	v26 =	vsel vm0, $0x280, v26;
	v27 =	vsel vm0, $0x1100, v27;
	v28 =	vsel vm0, $0x1300, v28  }
0x7c: {  	v29 =	vsel vm0, $0x2100, v29;
	v30 =	vsel vm0, $0x2300, v30;
	v31 =	vsel vm0, $0x3100, v31  }
0x7d: {  	v32 =	vsel vm0, $0x3300, v32;
	v33 =	vsel vm0, $0x100, v33;
	v34 =	vsel vm0, $0x300, v34  }
0x7e: {  	v35 =	vsel vm0, $0x1180, v35;
	v36 =	vsel vm0, $0x1380, v36;
	v37 =	vsel vm0, $0x2180, v37  }
0x7f: {  	v38 =	vsel vm0, $0x2380, v38;
	v39 =	vsel vm0, $0x3180, v39;
	v40 =	vsel vm0, $0x3380, v40  }
0x80: {  	v41 =	vsel vm0, $0x180, v41;
	v42 =	vsel vm0, $0x380, v42;
	vm0 =	vcmask $0x2724  }
0x81: {  	v0 =	vsel vm0, $0x1080, v0;
	v1 =	vsel vm0, $0x1280, v1;
	v2 =	vsel vm0, $0x2080, v2  }
0x82: {  	v3 =	vsel vm0, $0x2280, v3;
	v4 =	vsel vm0, $0x3080, v4;
	v5 =	vsel vm0, $0x3280, v5  }
0x83: {  	v17 =	vsel vm0, $0x80, v17;
	v18 =	vsel vm0, $0x280, v18;
	v19 =	vsel vm0, $0x1100, v19  }
0x84: {  	v20 =	vsel vm0, $0x1300, v20;
	v21 =	vsel vm0, $0x2100, v21;
	v22 =	vsel vm0, $0x2300, v22  }
0x85: {  	v23 =	vsel vm0, $0x3100, v23;
	v24 =	vsel vm0, $0x3300, v24;
	v25 =	vsel vm0, $0x100, v25  }
0x86: {  	v26 =	vsel vm0, $0x300, v26;
	v27 =	vsel vm0, $0x1180, v27;
	v28 =	vsel vm0, $0x1380, v28  }
0x87: {  	v29 =	vsel vm0, $0x2180, v29;
	v30 =	vsel vm0, $0x2380, v30;
	v31 =	vsel vm0, $0x3180, v31  }
0x88: {  	v32 =	vsel vm0, $0x3380, v32;
	v33 =	vsel vm0, $0x180, v33;
	v34 =	vsel vm0, $0x380, v34  }
0x89: {  	v35 =	vsel vm0, $0x1200, v35;
	v36 =	vsel vm0, $0x2000, v36;
	v37 =	vsel vm0, $0x2200, v37  }
0x8a: {  	v38 =	vsel vm0, $0x3000, v38;
	v39 =	vsel vm0, $0x3200, v39;
	v40 =	vsel vm0, $0x0, v40  }
0x8b: {  	v41 =	vsel vm0, $0x200, v41;
	v42 =	vsel vm0, $0x1000, v42;
	vm0 =	vcmask $0x2B28  }
0x8c: {  	v0 =	vsel vm0, $0x1100, v0;
	v1 =	vsel vm0, $0x1300, v1;
	v2 =	vsel vm0, $0x2100, v2  }
0x8d: {  	v3 =	vsel vm0, $0x2300, v3;
	v4 =	vsel vm0, $0x3100, v4;
	v5 =	vsel vm0, $0x3300, v5  }
0x8e: {  	v17 =	vsel vm0, $0x100, v17;
	v18 =	vsel vm0, $0x300, v18;
	v19 =	vsel vm0, $0x1180, v19  }
0x8f: {  	v20 =	vsel vm0, $0x1380, v20;
	v21 =	vsel vm0, $0x2180, v21;
	v22 =	vsel vm0, $0x2380, v22  }
0x90: {  	v23 =	vsel vm0, $0x3180, v23;
	v24 =	vsel vm0, $0x3380, v24;
	v25 =	vsel vm0, $0x180, v25  }
0x91: {  	v26 =	vsel vm0, $0x380, v26;
	v27 =	vsel vm0, $0x1200, v27;
	v28 =	vsel vm0, $0x2000, v28  }
0x92: {  	v29 =	vsel vm0, $0x2200, v29;
	v30 =	vsel vm0, $0x3000, v30;
	v31 =	vsel vm0, $0x3200, v31  }
0x93: {  	v32 =	vsel vm0, $0x0, v32;
	v33 =	vsel vm0, $0x200, v33;
	v34 =	vsel vm0, $0x1000, v34  }
0x94: {  	v35 =	vsel vm0, $0x1280, v35;
	v36 =	vsel vm0, $0x2080, v36;
	v37 =	vsel vm0, $0x2280, v37  }
0x95: {  	v38 =	vsel vm0, $0x3080, v38;
	v39 =	vsel vm0, $0x3280, v39;
	v40 =	vsel vm0, $0x80, v40  }
0x96: {  	v41 =	vsel vm0, $0x280, v41;
	v42 =	vsel vm0, $0x1080, v42;
	vm0 =	vcmask $0x2F2C  }
0x97: {  	v0 =	vsel vm0, $0x1180, v0;
	v1 =	vsel vm0, $0x1380, v1;
	v2 =	vsel vm0, $0x2180, v2  }
0x98: {  	v3 =	vsel vm0, $0x2380, v3;
	v4 =	vsel vm0, $0x3180, v4;
	v5 =	vsel vm0, $0x3380, v5  }
0x99: {  	v17 =	vsel vm0, $0x180, v17;
	v18 =	vsel vm0, $0x380, v18;
	v19 =	vsel vm0, $0x1200, v19  }
0x9a: {  	v20 =	vsel vm0, $0x2000, v20;
	v21 =	vsel vm0, $0x2200, v21;
	v22 =	vsel vm0, $0x3000, v22  }
0x9b: {  	v23 =	vsel vm0, $0x3200, v23;
	v24 =	vsel vm0, $0x0, v24;
	v25 =	vsel vm0, $0x200, v25  }
0x9c: {  	v26 =	vsel vm0, $0x1000, v26;
	v27 =	vsel vm0, $0x1280, v27;
	v28 =	vsel vm0, $0x2080, v28  }
0x9d: {  	v29 =	vsel vm0, $0x2280, v29;
	v30 =	vsel vm0, $0x3080, v30;
	v31 =	vsel vm0, $0x3280, v31  }
0x9e: {  	v32 =	vsel vm0, $0x80, v32;
	v33 =	vsel vm0, $0x280, v33;
	v34 =	vsel vm0, $0x1080, v34  }
0x9f: {  	v35 =	vsel vm0, $0x1300, v35;
	v36 =	vsel vm0, $0x2100, v36;
	v37 =	vsel vm0, $0x2300, v37  }
0xa0: {  	v38 =	vsel vm0, $0x3100, v38;
	v39 =	vsel vm0, $0x3300, v39;
	v40 =	vsel vm0, $0x100, v40  }
0xa1: {  	v41 =	vsel vm0, $0x300, v41;
	v42 =	vsel vm0, $0x1100, v42;
	vm0 =	vcmask $0x3330  }
0xa2: {  	v0 =	vsel vm0, $0x1200, v0;
	v1 =	vsel vm0, $0x2000, v1;
	v2 =	vsel vm0, $0x2200, v2  }
0xa3: {  	v3 =	vsel vm0, $0x3000, v3;
	v4 =	vsel vm0, $0x3200, v4;
	v5 =	vsel vm0, $0x0, v5  }
0xa4: {  	v17 =	vsel vm0, $0x200, v17;
	v18 =	vsel vm0, $0x1000, v18;
	v19 =	vsel vm0, $0x1280, v19  }
0xa5: {  	v20 =	vsel vm0, $0x2080, v20;
	v21 =	vsel vm0, $0x2280, v21;
	v22 =	vsel vm0, $0x3080, v22  }
0xa6: {  	v23 =	vsel vm0, $0x3280, v23;
	v24 =	vsel vm0, $0x80, v24;
	v25 =	vsel vm0, $0x280, v25  }
0xa7: {  	v26 =	vsel vm0, $0x1080, v26;
	v27 =	vsel vm0, $0x1300, v27;
	v28 =	vsel vm0, $0x2100, v28  }
0xa8: {  	v29 =	vsel vm0, $0x2300, v29;
	v30 =	vsel vm0, $0x3100, v30;
	v31 =	vsel vm0, $0x3300, v31  }
0xa9: {  	v32 =	vsel vm0, $0x100, v32;
	v33 =	vsel vm0, $0x300, v33;
	v34 =	vsel vm0, $0x1100, v34  }
0xaa: {  	v35 =	vsel vm0, $0x1380, v35;
	v36 =	vsel vm0, $0x2180, v36;
	v37 =	vsel vm0, $0x2380, v37  }
0xab: {  	v38 =	vsel vm0, $0x3180, v38;
	v39 =	vsel vm0, $0x3380, v39;
	v40 =	vsel vm0, $0x180, v40  }
0xac: {  	v41 =	vsel vm0, $0x380, v41;
	v42 =	vsel vm0, $0x1180, v42;
	vm0 =	vcmask $0x3734  }
0xad: {  	[tilespmem:$0x1FC60] =	vst v7;
	v7 =	vimm.s32 $0x76543210;
	v15 =	vsel vm0, $0x1280, v0;
	v16 =	vsel vm0, $0x2080, v1  }
0xae: {  	[tilespmem:$0x1FC00] =	vst v44;
	v2 =	vsel vm0, $0x2280, v2;
	v3 =	vsel vm0, $0x3080, v3;
	v4 =	vsel vm0, $0x3280, v4  }
0xaf: {  	[tilespmem:$0x1FC10] =	vst v45;
	v5 =	vsel vm0, $0x80, v5;
	v43 =	vsel vm0, $0x280, v17;
	v44 =	vsel vm0, $0x1080, v18  }
0xb0: {  	[tilespmem:$0x1FC20] =	vst v46;
	v45 =	vsel vm0, $0x1300, v19;
	v46 =	vsel vm0, $0x2100, v20;
	v47 =	vsel vm0, $0x2300, v21  }
0xb1: {  	v21 =	vlaneseq.u32;
	v48 =	vsel vm0, $0x3100, v22;
	v49 =	vsel vm0, $0x3300, v23  }
0xb2: {  	v50 =	vsel vm0, $0x100, v24;
	v51 =	vsel vm0, $0x300, v25;
	v52 =	vsel vm0, $0x1100, v26  }
0xb3: {  	v53 =	vsel vm0, $0x1380, v27;
	v54 =	vsel vm0, $0x2180, v28;
	v55 =	vsel vm0, $0x2380, v29  }
0xb4: {  	v56 =	vsel vm0, $0x3180, v30;
	v57 =	vsel vm0, $0x3380, v31;
	v58 =	vsel vm0, $0x180, v32  }
0xb5: {  	v59 =	vsel vm0, $0x380, v33;
	v60 =	vsel vm0, $0x1180, v34;
	v61 =	vsel vm0, $0x2000, v35  }
0xb6: {  	v62 =	vsel vm0, $0x2200, v36;
	v63 =	vsel vm0, $0x3000, v37;
	v11 =	vsel vm0, $0x0, v39  }
0xb7: {  	v12 =	vsel vm0, $0x200, v40;
	v13 =	vsel vm0, $0x1000, v41;
	v1 =	vunpack.c.l.s4.s8 v7  }
0xb8: {  	v14 =	vsel vm0, $0x1200, v42;
	v19 =	vmovc v10;
	v10 =	vsel vm0, $0x3200, v38;
	vm0 =	vcmask $0x3B38  }
0xb9: {  	v0 =	vunpack.c.0.s8.s32 v6;
	v1 =	vunpack.c.0.s8.s32 v1;
	v15 =	vsel vm0, $0x1300, v15  }
0xba: {  	v16 =	vsel vm0, $0x2100, v16;
	v17 =	vsel vm0, $0x2300, v2;
	v18 =	vsel vm0, $0x3100, v3  }
0xbb: {  	v22 =	vsel vm0, $0x3300, v4;
	v24 =	vsel vm0, $0x100, v5;
	v25 =	vsel vm0, $0x300, v43  }
0xbc: {  	v26 =	vsel vm0, $0x1100, v44;
	v27 =	vsel vm0, $0x1380, v45;
	v28 =	vsel vm0, $0x2180, v46  }
0xbd: {  	v29 =	vsel vm0, $0x2380, v47;
	v30 =	vsel vm0, $0x3180, v48;
	v31 =	vsel vm0, $0x3380, v49  }
0xbe: {  	v32 =	vsel vm0, $0x180, v50;
	v33 =	vsel vm0, $0x380, v51;
	v34 =	vsel vm0, $0x1180, v52  }
0xbf: {  	v53 =	vsel vm0, $0x2000, v53;
	v54 =	vsel vm0, $0x2200, v54;
	v55 =	vsel vm0, $0x3000, v55  }
0xc0: {  	v35 =	vsel vm0, $0x3200, v56;
	v36 =	vsel vm0, $0x0, v57;
	v37 =	vsel vm0, $0x200, v58;
	v51 =	vld [tilespmem:$0x1FC30]  }
0xc1: {  	v44 =	vsel vm0, $0x1000, v59;
	v48 =	vsel vm0, $0x1200, v60;
	v43 =	vsel vm0, $0x2080, v61;
	v52 =	vld [tilespmem:$0x1FC40]  }
0xc2: {  	v62 =	vsel vm0, $0x2280, v62;
	v42 =	vsel vm0, $0x3080, v63;
	v59 =	vsel vm0, $0x3280, v10;
	v10 =	vmovc v53;
	v53 =	vld [tilespmem:$0x1FC50]  }
0xc3: {  	v40 =	vsel vm0, $0x80, v11;
	v23 =	vsel vm0, $0x280, v12;
	v60 =	vsel vm0, $0x1080, v13  }
0xc4: {  	v57 =	vsel vm0, $0x1280, v14;
	vm0 =	vcmask $0x1F10;
	v56 =	vimm.s32 $0x87654321  }
0xc5: {  	v58 =	vimm.s32 $0x1C1B1A19;
	v61 =	vimm.s32 $0x4030201;
	v63 =	vld [tilespmem:$0x1FC60];
	v49 =	vadd.s32 $0x2, v21  }
0xc6: {  	v11 =	vmovc v54;
	v12 =	vmovc v55;
	v54 =	vimm.s32 $0x14131211;
	v55 =	vimm.s32 $0x18171615;
	v4 =	vunpack.c.0.s8.s32 v61  }
0xc7: {  	v2 =	vsel vm0, v52, v51;
	v3 =	vsel vm0, v0, v53;
	v0 =	vsel vm0, v51, v0  }
0xc8: {  	v8 =	vcombine.low v3, v2;
	v14 =	vcombine.low v0, v1;
	v0 =	vunpack.c.0.s8.s32 v54  }
0xc9: {  	v1 =	vunpack.c.0.s8.s32 v55;
	v2 =	vunpack.c.l.s4.s8 v56;
	v3 =	vunpack.c.0.s8.s32 v58  }
0xca: {  	[tilespmem:$0x1FCA0] =	vst v49;
	v4 =	vsel vm0, v4, v63;
	v51 =	vadd.s32 $0x6, v21;
	v56 =	vadd.s32 $0xA, v21  }
0xcb: {  	[tilespmem:$0x1FCB0] =	vst v51;
	v0 =	vsel vm0, v1, v0;
	v2 =	vunpack.c.0.s8.s32 v2;
	v38 =	vsel vm0, v63, v3  }
0xcc: {  	v58 =	vadd.s32 $0xE, v21;
	[tilespmem:$0x1FCC0] =	vst v56;
	v1 =	vsel vm0, v3, v1;
	v0 =	vcombine.low v0, v38  }
0xcd: {  	[tilespmem:$0x1FCD0] =	vst v58;
	v46 =	vcombine.low v1, v4;
	v47 =	vand.u32 $0xF, v2  }
0xce: {  	s6 =	rddreg [dreg:$0x0];
	[tilespmem:$0x1FC70] =	vst v0;
	v0 =	vcombine.low v38, v47  }
0xcf: {  	s1 =	rddreg [dreg:$0x1];
	s3 =	simm.s32 $0x0;
	v54 =	vimm.s32 $0x98765432;
	[tilespmem:$0x1FC80] =	vst v46  }
0xd0: {  	[smem:$0x7FF] =	sst s3;
	v3 =	vunpack.c.l.s4.s8 v54;
	v54 =	vadd.s32 $0x3, v21;
	[tilespmem:$0x1FC90] =	vst v0  }
0xd1: {  	s0 =	rddreg [dreg:$0x2];
	v56 =	vadd.s32 $0x7, v21;
	_ =	strace $0x80000047;
	[tilespmem:$0x1FD20] =	vst v54  }
0xd2: {  	[tilespmem:$0x1FD80] =	vst v56  }
0xd3: {  	[tilespmem:$0x1FDA0] =	vst v16  }
0xd4: {  	[tilespmem:$0x1FDB0] =	vst v17  }
0xd5: {  	[tilespmem:$0x1FDC0] =	vst v18  }
0xd6: {  	[tilespmem:$0x1FDD0] =	vst v22  }
0xd7: {  	[tilespmem:$0x1FDE0] =	vst v24  }
0xd8: {  	[tilespmem:$0x1FDF0] =	vst v25  }
0xd9: {  	[tilespmem:$0x1FE00] =	vst v26  }
0xda: {  	[tilespmem:$0x1FE10] =	vst v27  }
0xdb: {  	[tilespmem:$0x1FE20] =	vst v28  }
0xdc: {  	[tilespmem:$0x1FE30] =	vst v29  }
0xdd: {  	[tilespmem:$0x1FE40] =	vst v30  }
0xde: {  	[tilespmem:$0x1FE50] =	vst v31  }
0xdf: {  	[tilespmem:$0x1FE60] =	vst v32  }
0xe0: {  	[tilespmem:$0x1FE70] =	vst v33  }
0xe1: {  	[tilespmem:$0x1FE80] =	vst v34  }
0xe2: {  	[tilespmem:$0x1FE90] =	vst v10  }
0xe3: {  	[tilespmem:$0x1FEA0] =	vst v11  }
0xe4: {  	[tilespmem:$0x1FEB0] =	vst v12  }
0xe5: {  	[tilespmem:$0x1FEC0] =	vst v35  }
0xe6: {  	[tilespmem:$0x1FED0] =	vst v57  }
0xe7: {  	[tilespmem:$0x1FEE0] =	vst v36  }
0xe8: {  	[tilespmem:$0x1FEF0] =	vst v60  }
0xe9: {  	[tilespmem:$0x1FF00] =	vst v23  }
0xea: {  	[tilespmem:$0x1FF10] =	vst v37  }
0xeb: {  	[tilespmem:$0x1FF20] =	vst v44  }
0xec: {  	[tilespmem:$0x1FF30] =	vst v40  }
0xed: {  	[tilespmem:$0x1FF40] =	vst v59  }
0xee: {  	v39 =	vadd.s32 $0x5, v21;
	[tilespmem:$0x1FF50] =	vst v48  }
0xef: {  	[tilespmem:$0x1FF60] =	vst v39  }
0xf0: {  	[tilespmem:$0x1FF70] =	vst v43  }
0xf1: {  	[tilespmem:$0x1FF80] =	vst v14  }
0xf2: {  	v41 =	vadd.s32 $0x1, v21;
	[tilespmem:$0x1FF90] =	vst v62  }
0xf3: {  	v50 =	vimm.s32 $0x15141312;
	v52 =	vimm.s32 $0x19181716;
	[tilespmem:$0x1FFA0] =	vst v41;
	v61 =	vld [tilespmem:$0x1FCE0]  }
0xf4: {  	v45 =	vadd.s32 $0x9, v21;
	v53 =	vimm.s32 $0x1D1C1B1A;
	v55 =	vimm.s32 $0x5040302;
	[tilespmem:$0x1FFB0] =	vst v42  }
0xf5: {  	v58 =	vadd.s32 $0xB, v21;
	v1 =	vunpack.c.0.s8.s32 v52;
	v0 =	vunpack.c.0.s8.s32 v50;
	[tilespmem:$0x1FFC0] =	vst v8  }
0xf6: {  	v4 =	vunpack.c.0.s8.s32 v55;
	v2 =	vunpack.c.0.s8.s32 v53;
	v50 =	vimm.s32 $0x1A191817;
	[tilespmem:$0x1FFD0] =	vst v45  }
0xf7: {  	s4 =	srdreg.scid;
	v49 =	vimm.s32 $0x16151413;
	v51 =	vunpack.c.0.s8.s32 v50;
	[tilespmem:$0x1FFE0] =	vst v58;
	v0 =	vsel vm0, v1, v0  }
0xf8: {  	s2 =	stileid.u32;
	s13 =	simm.s32 $0x400;
	s14 =	simm.s32 $0x3780;
	[tilespmem:$0x1FFF0] =	vst v15;
	v1 =	vsel vm0, v2, v1;
	v63 =	vsel vm0, v61, v2;
	v38 =	vsel vm0, v4, v61  }
0xf9: {  	s15 =	simm.s32 $0x3980;
	s17 =	simm.s32 $0x3B80;
	s18 =	simm.s32 $0x1000;
	[tilespmem:$0x1FD30] =	vst v51;
	v2 =	vunpack.c.0.s8.s32 v49;
	v61 =	vadd.s32 $0xF, v21;
	v0 =	vcombine.low v0, v63  }
0xfa: {  	s11 =	simm.s32 $0x5;
	s12 =	simm.s32 $0x80;
	s16 =	simm.s32 $0x1;
	v52 =	vimm.s32 $0x6050403;
	v55 =	vimm.s32 $0x1E1D1C1B;
	v3 =	vunpack.c.0.s8.s32 v3;
	[tilespmem:$0x1FD90] =	vst v61  }
0xfb: {  	s19 =	simm.s32 $0x20000;
	s20 =	simm.s32 $0x2;
	s21 =	simm.s32 $0x4;
	v47 =	vimm.s32 $0xA9876543;
	v2 =	vsel vm0, v51, v2;
	[tilespmem:$0x1FCF0] =	vst v0;
	v0 =	vcombine.low v1, v38  }
0xfc: {  	s22 =	simm.s32 $0x7B80;
	s23 =	simm.s32 $0x3;
	s7 =	sand.u32 $0x1, s4;
	v46 =	vand.u32 $0xF, v3;
	v1 =	vunpack.c.l.s4.s8 v47;
	[tilespmem:$0x1FD40] =	vst v2;
	v2 =	vunpack.c.0.s8.s32 v55  }
.Ltmp0:
0xfd: {  	s30 =	sshll.u32 s2, $0xD;
	s5 =	sshll.u32 s7, $0xC;
	v53 =	vunpack.c.0.s8.s32 v52;
	[tilespmem:$0x1FD00] =	vst v0;
	v0 =	vcombine.low v63, v46;
	(pc) =	sbr.rel .LBB2_1-.Ltmp0, $4  }
0xfe: {  	s24 =	simm.s32 $0x0;
	s8 =	ssub.s32 $0x2, s7;
	s4 =	sor.u32 s5, s30;
	v1 =	vunpack.c.0.s8.s32 v1;
	[tilespmem:$0x1FD50] =	vst v2  }
0xff: {  	s5 =	sadd.s32 $0x1000, s6;
	s9 =	sshrl.u32 s8, $0x1;
	s31 =	sshrl.u32 s4, $0x3;
	[tilespmem:$0x1FD10] =	vst v0;
	v0 =	vsel vm0, v53, v19  }
0x100: {  	s6 =	sadd.s32 $0x800, s6;
	s10 =	ssub.s32 s8, s9;
	s7 =	sadd.s32 s5, s31;
	v1 =	vand.u32 $0xF, v1;
	[tilespmem:$0x1FD60] =	vst v0  }
0x101: {  	s9 =	sadd.s32 $0x10000, s1;
	s10 =	smax.u32 s10, $0x1;
	s8 =	sadd.s32 $0x10, s7;
	v20 =	vadd.s32 $0xD, v21;
	v9 =	vmovc v23;
	v47 =	vmov v8;
	v46 =	vmov v14;
	[tilespmem:$0x1FD70] =	vst v1  }
.LBB2_12:
0x102: {  	_ =	swait.ge [sflag:s23], $0x4000  }
0x103: {  	[sflag:s23] =	ssyncset.done $0x0  }
0x104: {  	[sflag:s23] =	ssyncadd.s32 $0xFFFFC000  }
0x105: {  	_ =	swait.ge [sflag:s21], $0x4000  }
0x106: {  	v16 =	vld [tilespmem:$0x1FDA0]  }
0x107: {  	v17 =	vld [tilespmem:$0x1FDB0]  }
0x108: {  	v18 =	vld [tilespmem:$0x1FDC0]  }
0x109: {  	v22 =	vld [tilespmem:$0x1FDD0]  }
0x10a: {  	v24 =	vld [tilespmem:$0x1FDE0]  }
0x10b: {  	v25 =	vld [tilespmem:$0x1FDF0]  }
0x10c: {  	v19 =	vmov v26;
	v26 =	vld [tilespmem:$0x1FE00]  }
0x10d: {  	v27 =	vld [tilespmem:$0x1FE10]  }
0x10e: {  	v28 =	vld [tilespmem:$0x1FE20]  }
0x10f: {  	v29 =	vld [tilespmem:$0x1FE30]  }
0x110: {  	v30 =	vld [tilespmem:$0x1FE40]  }
0x111: {  	v15 =	vmov v31;
	v31 =	vld [tilespmem:$0x1FE50]  }
0x112: {  	v32 =	vld [tilespmem:$0x1FE60]  }
0x113: {  	v33 =	vld [tilespmem:$0x1FE70]  }
0x114: {  	v34 =	vld [tilespmem:$0x1FE80]  }
0x115: {  	v10 =	vld [tilespmem:$0x1FE90]  }
0x116: {  	v11 =	vld [tilespmem:$0x1FEA0]  }
0x117: {  	v12 =	vld [tilespmem:$0x1FEB0]  }
0x118: {  	v35 =	vld [tilespmem:$0x1FEC0]  }
0x119: {  	v57 =	vld [tilespmem:$0x1FED0]  }
0x11a: {  	v36 =	vld [tilespmem:$0x1FEE0]  }
0x11b: {  	v60 =	vld [tilespmem:$0x1FEF0]  }
0x11c: {  	v9 =	vld [tilespmem:$0x1FF00]  }
0x11d: {  	v37 =	vld [tilespmem:$0x1FF10]  }
0x11e: {  	v44 =	vld [tilespmem:$0x1FF20]  }
0x11f: {  	v40 =	vld [tilespmem:$0x1FF30]  }
0x120: {  	v59 =	vld [tilespmem:$0x1FF40]  }
0x121: {  	v48 =	vld [tilespmem:$0x1FF50]  }
0x122: {  	v39 =	vld [tilespmem:$0x1FF60]  }
0x123: {  	s24 =	sadd.s32 $0x1, s24;
	v43 =	vld [tilespmem:$0x1FF70]  }
0x124: {  	p0 =	sne.s32 s24, s10;
	v46 =	vld [tilespmem:$0x1FF80]  }
.Ltmp1:
0x125: {  	v62 =	vld [tilespmem:$0x1FF90];
	(pc) =	sbr.rel @!p0 .LBB2_13-.Ltmp1, $4  }
0x126: {  	v41 =	vld [tilespmem:$0x1FFA0]  }
0x127: {  	v42 =	vld [tilespmem:$0x1FFB0]  }
0x128: {  	[sflag:s21] =	ssyncset.done $0x0;
	v47 =	vld [tilespmem:$0x1FFC0]  }
0x129: {  	v20 =	vmov v23;
	v45 =	vld [tilespmem:$0x1FFD0];
	[sflag:s21] =	ssyncadd.s32 $0xFFFFC000  }
.LBB2_1:
0x12a: {  	[tilespmem:s3], [sflag:$0x5] =	stream.linear.gather [hbm4b:s6+s3], $0x3780, $0x38;
	[tilespmem:$0xBB80] =	vst v63  }
0x12b: {  	_ =	swait.ge [sflag:s11], $0x3780  }
0x12c: {  	v38 =	vmovc v43;
	v54 =	vmov v40;
	v8 =	vmov v48;
	v7 =	vmov v12;
	[sflag:s11] =	ssyncset.done $0x0  }
0x12d: {  	v6 =	vmovc v11;
	v4 =	vmovc v44;
	v3 =	vmov v37;
	v2 =	vmov v36;
	v1 =	vmov v35;
	[sflag:s11] =	ssyncadd.s32 $0xFFFFC880  }
0x12e: {  	v0 =	vmovc v34;
	v5 =	vmovc v33;
	v56 =	vmov v32;
	v61 =	vmov v31;
	v58 =	vmov v30;
	[tilespmem:s14], [sflag:$0x1] =	stream.strided.gather [hbm4b:s7+s12], $0x200, s13, s12, $0x38;
	[tilespmem:$0xBB80] =	vst v63  }
0x12f: {  	v14 =	vmovc v29;
	v48 =	vmovc v28;
	v13 =	vmov v27;
	v11 =	vmov v26;
	v12 =	vmov v25;
	s25 =	simm.s32 $0x0  }
0x130: {  	v50 =	vmovc v24;
	v53 =	vmovc v22;
	v34 =	vmov v9;
	v40 =	vmov v46;
	v43 =	vmov v47;
	[tilespmem:s15], [sflag:$0x2] =	stream.strided.gather [hbm4b:s8+s12], $0x200, s13, s12, $0x38;
	[tilespmem:$0xBB80] =	vst v63  }
.LBB2_2:
0x131: {  	_ =	swait.ge [sflag:s16], $0x200  }
0x132: {  	p0 =	seq.s32 s25, $0x0;
	[sflag:s16] =	ssyncset.done $0x0  }
0x133: {  	s28 =	simm.s32 @!p0 $0x3;
	[sflag:s16] =	ssyncadd.s32 $0xFFFFFE00  }
0x134: {  	_ =	swait.ge @!p0 [sflag:s28], $0x4000  }
0x135: {  	v44 =	vld [tilespmem:$0x1FD50]  }
0x136: {  	v46 =	vld [tilespmem:$0x1FD90]  }
0x137: {  	v47 =	vld [tilespmem:$0x1FD80]  }
0x138: {  	v49 =	vld [tilespmem:$0x1FD30]  }
0x139: {  	v51 =	vld [tilespmem:$0x1FD40]  }
0x13a: {  	s26 =	sshll.u32 s25, $0x1;
	v22 =	vmovc v2;
	v32 =	vmovc v3;
	v24 =	vmov v10;
	v25 =	vmov v4;
	v27 =	vmov v6;
	[sflag:s28] =	ssyncset.done @!p0 $0x0;
	v52 =	vld [tilespmem:$0x1FD60]  }
0x13b: {  	s29 =	simm.s32 $0x3780;
	v28 =	vmovc v7;
	v30 =	vmovc v8;
	v35 =	vmov v54;
	v36 =	vmov v59;
	v37 =	vmov v62;
	v55 =	vld [tilespmem:$0x1FD70];
	[sflag:s28] =	ssyncadd.s32 @!p0 $0xFFFFC000;
	s28 =	simm.s32 $0x0  }
.LBB2_3:
0x13c: {  	v2 =	vld [tilespmem:s29+$0x0];
	_ =	sdelay $0x1  }
0x13d: {  	v3 =	vld [tilespmem:$0x1FBB0]  }
0x13e: {  	v4 =	vld [tilespmem:$0x1FBC0]  }
0x13f: {  	v7 =	vld [tilespmem:$0x1FBD0]  }
0x140: {  	v9 =	vld [tilespmem:$0x1FBE0];
	v6 =	vshll.u32 v2, $0x5  }
0x141: {  	v2 =	vor.u32 v21, v6  }
0x142: {  	v3 =	vor.u32 v3, v6  }
0x143: {  	v10 =	vld [tilespmem:$0x1FBF0];
	v4 =	vor.u32 v4, v6  }
0x144: {  	v8 =	vmov s28;
	v7 =	vor.u32 v7, v6  }
0x145: {  	v29 =	vmovc v57;
	v57 =	vor.u32 s28, v21;
	v8 =	vshll.u32 v8, $0x3;
	v9 =	vor.u32 v9, v6  }
0x146: {  	v57 =	vand.u32 $0x7F, v57;
	v8 =	vand.u32 $0xC00, v8;
	v54 =	vor.u32 v43, v6;
	v2 =	vld.idx.msk [tilespmem:v2+s3+$0x0], $0xffff  }
0x147: {  	v8 =	vor.u32 v8, v57;
	v62 =	vor.u32 v40, v6;
	v3 =	vld.idx.msk [tilespmem:v3+s3+$0x0], $0xffff  }
0x148: {  	v57 =	vor.u32 v15, v8;
	v63 =	vor.u32 v10, v6;
	v4 =	vld.idx.msk [tilespmem:v4+s3+$0x0], $0xffff  }
0x149: {  	v31 =	vmov v15;
	v15 =	vor.u32 v16, v8;
	v7 =	vld.idx.msk [tilespmem:v7+s3+$0x0], $0xffff  }
0x14a: {  	v59 =	vmov v16;
	v16 =	vor.u32 v17, v8;
	v9 =	vld.idx.msk [tilespmem:v9+s3+$0x0], $0xffff  }
0x14b: {  	v33 =	vmov v60;
	v60 =	vld.idx.msk [tilespmem:v54+s3+$0x0], $0xffff;
	v54 =	vmov v17;
	v17 =	vor.u32 v18, v8  }
0x14c: {  	v10 =	vmov v18;
	v62 =	vld.idx.msk [tilespmem:v62+s3+$0x0], $0xffff;
	v18 =	vor.u32 v53, v8  }
0x14d: {  	v63 =	vld.idx.msk [tilespmem:v63+s3+$0x0], $0xffff;
	[tilespmem:v57+s17+$0x0] =	vst.idx.msk $0xffff, v2;
	v2 =	vor.u32 v50, v8  }
0x14e: {  	[tilespmem:v15+s17+$0x0] =	vst.idx.msk $0xffff, v3;
	v3 =	vor.u32 v12, v8  }
0x14f: {  	[tilespmem:v16+s17+$0x0] =	vst.idx.msk $0xffff, v4;
	v4 =	vor.u32 v11, v8  }
0x150: {  	[tilespmem:v17+s17+$0x0] =	vst.idx.msk $0xffff, v7  }
0x151: {  	[tilespmem:v18+s17+$0x0] =	vst.idx.msk $0xffff, v9  }
0x152: {  	v15 =	vld [tilespmem:$0x1FC80];
	[tilespmem:v2+s17+$0x0] =	vst.idx.msk $0xffff, v60  }
0x153: {  	v16 =	vld [tilespmem:$0x1FC90];
	v7 =	vor.u32 v41, v6;
	[tilespmem:v3+s17+$0x0] =	vst.idx.msk $0xffff, v62  }
0x154: {  	v9 =	vor.u32 v39, v6;
	[tilespmem:v4+s17+$0x0] =	vst.idx.msk $0xffff, v63;
	v4 =	vld [tilespmem:$0x1FC70]  }
0x155: {  	v17 =	vld [tilespmem:$0x1FC00];
	v2 =	vor.u32 v45, v6  }
0x156: {  	v3 =	vor.u32 v20, v6  }
0x157: {  	v15 =	vor.u32 v15, v6  }
0x158: {  	v16 =	vor.u32 v16, v6;
	v7 =	vld.idx.msk [tilespmem:v7+s3+$0x0], $0xffff  }
0x159: {  	v9 =	vld.idx.msk [tilespmem:v9+s3+$0x0], $0xffff;
	v4 =	vor.u32 v4, v6  }
0x15a: {  	v18 =	vor.u32 v13, v8;
	v17 =	vor.u32 v17, v6;
	v2 =	vld.idx.msk [tilespmem:v2+s3+$0x0], $0xffff  }
0x15b: {  	v57 =	vor.u32 v48, v8;
	v3 =	vld.idx.msk [tilespmem:v3+s3+$0x0], $0xffff  }
0x15c: {  	v60 =	vor.u32 v14, v8;
	v15 =	vld.idx.msk [tilespmem:v15+s3+$0x0], $0xffff  }
0x15d: {  	v62 =	vor.u32 v58, v8;
	v16 =	vld.idx.msk [tilespmem:v16+s3+$0x0], $0xffff  }
0x15e: {  	v63 =	vor.u32 v61, v8;
	v4 =	vld.idx.msk [tilespmem:v4+s3+$0x0], $0xffff  }
0x15f: {  	v17 =	vld.idx.msk [tilespmem:v17+s3+$0x0], $0xffff;
	[tilespmem:v18+s17+$0x0] =	vst.idx.msk $0xffff, v7;
	v7 =	vor.u32 v56, v8  }
0x160: {  	[tilespmem:v57+s17+$0x0] =	vst.idx.msk $0xffff, v9  }
0x161: {  	v9 =	vor.u32 v5, v8;
	[tilespmem:v60+s17+$0x0] =	vst.idx.msk $0xffff, v2  }
0x162: {  	[tilespmem:v62+s17+$0x0] =	vst.idx.msk $0xffff, v3;
	v3 =	vld [tilespmem:$0x1FCA0]  }
0x163: {  	v2 =	vor.u32 v0, v8;
	[tilespmem:v63+s17+$0x0] =	vst.idx.msk $0xffff, v4;
	v4 =	vld [tilespmem:$0x1FCB0]  }
0x164: {  	[tilespmem:v7+s17+$0x0] =	vst.idx.msk $0xffff, v15;
	v7 =	vld [tilespmem:$0x1FCC0]  }
0x165: {  	v15 =	vld [tilespmem:$0x1FD00]  }
0x166: {  	[tilespmem:v9+s17+$0x0] =	vst.idx.msk $0xffff, v16;
	v9 =	vld [tilespmem:$0x1FCD0]  }
0x167: {  	v16 =	vld [tilespmem:$0x1FD10];
	v3 =	vor.u32 v3, v6  }
0x168: {  	[tilespmem:v2+s17+$0x0] =	vst.idx.msk $0xffff, v17;
	v2 =	vld [tilespmem:$0x1FCF0];
	v4 =	vor.u32 v4, v6  }
0x169: {  	v17 =	vld [tilespmem:$0x1FC10];
	v7 =	vor.u32 v7, v6  }
0x16a: {  	v15 =	vor.u32 v15, v6  }
0x16b: {  	v9 =	vor.u32 v9, v6  }
0x16c: {  	v16 =	vor.u32 v16, v6;
	v3 =	vld.idx.msk [tilespmem:v3+s3+$0x0], $0xffff  }
0x16d: {  	v2 =	vor.u32 v2, v6;
	v4 =	vld.idx.msk [tilespmem:v4+s3+$0x0], $0xffff  }
0x16e: {  	v18 =	vor.u32 v24, v8;
	v17 =	vor.u32 v17, v6;
	v7 =	vld.idx.msk [tilespmem:v7+s3+$0x0], $0xffff  }
0x16f: {  	v57 =	vor.u32 v27, v8;
	v15 =	vld.idx.msk [tilespmem:v15+s3+$0x0], $0xffff  }
0x170: {  	v60 =	vor.u32 v28, v8;
	v9 =	vld.idx.msk [tilespmem:v9+s3+$0x0], $0xffff  }
0x171: {  	v62 =	vor.u32 v1, v8;
	v16 =	vld.idx.msk [tilespmem:v16+s3+$0x0], $0xffff  }
0x172: {  	v63 =	vor.u32 v22, v8;
	v2 =	vld.idx.msk [tilespmem:v2+s3+$0x0], $0xffff  }
0x173: {  	v17 =	vld.idx.msk [tilespmem:v17+s3+$0x0], $0xffff;
	[tilespmem:v18+s17+$0x0] =	vst.idx.msk $0xffff, v3  }
0x174: {  	[tilespmem:v57+s17+$0x0] =	vst.idx.msk $0xffff, v4  }
0x175: {  	[tilespmem:v60+s17+$0x0] =	vst.idx.msk $0xffff, v7  }
0x176: {  	[tilespmem:v62+s17+$0x0] =	vst.idx.msk $0xffff, v9  }
0x177: {  	[tilespmem:v63+s17+$0x0] =	vst.idx.msk $0xffff, v2;
	v2 =	vld [tilespmem:$0x1FD20]  }
0x178: {  	v3 =	vor.u32 v32, v8  }
0x179: {  	v4 =	vor.u32 v25, v8;
	_ =	sdelay $0x1  }
0x17a: {  	v7 =	vor.u32 v30, v8  }
0x17b: {  	v9 =	vor.u32 v2, v6;
	v2 =	vld [tilespmem:$0x1FFE0]  }
0x17c: {  	[tilespmem:v3+s17+$0x0] =	vst.idx.msk $0xffff, v15;
	v15 =	vor.u32 v47, v6;
	v3 =	vsel vm0, v44, v49  }
0x17d: {  	[tilespmem:v4+s17+$0x0] =	vst.idx.msk $0xffff, v16;
	v16 =	vor.u32 v46, v6;
	v3 =	vcombine.low v3, v52  }
0x17e: {  	v23 =	vld [tilespmem:$0x1FC20];
	v18 =	vsel vm0, v19, v44  }
0x17f: {  	v4 =	vcombine.low v18, v55;
	[tilespmem:v7+s17+$0x0] =	vst.idx.msk $0xffff, v17;
	v17 =	vor.u32 v3, v6  }
0x180: {  	v63 =	vor.u32 v2, v6;
	v2 =	vcombine.low v51, v18  }
0x181: {  	v15 =	vld.idx.msk [tilespmem:v15+s3+$0x0], $0xffff;
	v18 =	vor.u32 v4, v6  }
0x182: {  	v16 =	vld.idx.msk [tilespmem:v16+s3+$0x0], $0xffff;
	v7 =	vor.u32 v2, v6  }
0x183: {  	v60 =	vor.u32 v38, v8;
	v9 =	vld.idx.msk [tilespmem:v9+s3+$0x0], $0xffff;
	v6 =	vor.u32 v23, v6  }
0x184: {  	v62 =	vor.u32 v37, v8;
	v17 =	vld.idx.msk [tilespmem:v17+s3+$0x0], $0xffff  }
0x185: {  	v57 =	vld.idx.msk [tilespmem:v63+s3+$0x0], $0xffff;
	v63 =	vor.u32 v42, v8  }
0x186: {  	v26 =	vmov v19;
	v19 =	vor.u32 v36, v8;
	v18 =	vld.idx.msk [tilespmem:v18+s3+$0x0], $0xffff  }
0x187: {  	v23 =	vmov v20;
	v20 =	vor.u32 v35, v8;
	v7 =	vld.idx.msk [tilespmem:v7+s3+$0x0], $0xffff  }
0x188: {  	v6 =	vld.idx.msk [tilespmem:v6+s3+$0x0], $0xffff;
	[tilespmem:v60+s17+$0x0] =	vst.idx.msk $0xffff, v9;
	v9 =	vor.u32 v34, v8  }
0x189: {  	[tilespmem:v62+s17+$0x0] =	vst.idx.msk $0xffff, v15;
	v15 =	vor.u32 v33, v8  }
0x18a: {  	p1 =	sne.s32 s28, $0x1F0;
	v8 =	vor.u32 v29, v8;
	[tilespmem:v63+s17+$0x0] =	vst.idx.msk $0xffff, v57  }
.Ltmp2:
0x18b: {  	[tilespmem:v19+s17+$0x0] =	vst.idx.msk $0xffff, v16;
	(pc) =	sbr.rel @p1 .LBB2_3-.Ltmp2, $4  }
0x18c: {  	[tilespmem:v20+s17+$0x0] =	vst.idx.msk $0xffff, v7  }
0x18d: {  	[tilespmem:v9+s17+$0x0] =	vst.idx.msk $0xffff, v17  }
0x18e: {  	v60 =	vmov v33;
	v57 =	vmov v29;
	v16 =	vmov v59;
	[tilespmem:v15+s17+$0x0] =	vst.idx.msk $0xffff, v18  }
0x18f: {  	s29 =	sadd.s32 $0x10, s29;
	s28 =	sadd.s32 $0x10, s28;
	v19 =	vmovc v26;
	v20 =	vmovc v23;
	v17 =	vmov v54;
	v18 =	vmov v10;
	v15 =	vmov v31;
	[tilespmem:v8+s17+$0x0] =	vst.idx.msk $0xffff, v6  }
0x190: {  	p1 =	sne.s32 s25, $0x18  }
.Ltmp3:
0x191: {  	s28 =	sshll.u32 s25, $0x14;
	(pc) =	sbr.rel @p1 .LBB2_6-.Ltmp3, $4  }
0x192: {  	s28 =	sor.u32 s4, s28  }
0x193: {  	s28 =	sshrl.u32 s28, $0x3  }
0x194: {  	s29 =	sadd.s32 s1, s28  }
0x195: {  	[hbm4b:s29+s18] =	stream.strided.scatter [tilespmem:s17], [sflag:$0x3], $0x4000, s19, s18, $0x38;
	[tilespmem:$0xBB80] =	vst v63  }
.Ltmp4:
0x196: {  	(pc) =	sbr.rel .LBB2_7-.Ltmp4, $4  }
0x197: {  	_ = 	snop  }
0x198: {  	_ =	swait.ge [sflag:s20], $0x200  }
0x199: {  	[sflag:s20] =	ssyncset.done $0x0  }
0x19a: {  	[sflag:s20] =	ssyncadd.s32 $0xFFFFFE00  }
.LBB2_6:
0x19b: {  	s29 =	sadd.s32 $0x2, s26  }
0x19c: {  	s30 =	sshll.u32 s29, $0x7;
	s29 =	sshll.u32 s29, $0xE  }
0x19d: {  	s30 =	sand.u32 $0x300, s30;
	s29 =	sand.u32 $0x1E0000, s29  }
0x19e: {  	s29 =	sor.u32 s29, s30  }
0x19f: {  	s29 =	sor.u32 s4, s29  }
0x1a0: {  	s29 =	sshrl.u32 s29, $0x3  }
.Ltmp5:
0x1a1: {  	s29 =	sadd.s32 s5, s29;
	(pc) =	sbr.rel @p0 .LBB2_8-.Ltmp5, $4  }
0x1a2: {  	[tilespmem:s14], [sflag:$0x1] =	stream.strided.gather [hbm4b:s29+s12], $0x200, s13, s12, $0x38;
	[tilespmem:$0xBB80] =	vst v63  }
0x1a3: {  	_ =	swait.ge [sflag:s20], $0x200  }
0x1a4: {  	[sflag:s20] =	ssyncset.done $0x0  }
0x1a5: {  	[sflag:s20] =	ssyncadd.s32 $0xFFFFFE00  }
.LBB2_7:
0x1a6: {  	_ =	swait.ge [sflag:s21], $0x4000  }
0x1a7: {  	[sflag:s21] =	ssyncset.done $0x0  }
0x1a8: {  	[sflag:s21] =	ssyncadd.s32 $0xFFFFC000  }
.LBB2_8:
0x1a9: {  	v40 =	vld [tilespmem:$0x1FE10]  }
0x1aa: {  	v41 =	vld [tilespmem:$0x1FE20]  }
0x1ab: {  	v42 =	vld [tilespmem:$0x1FE30]  }
0x1ac: {  	v43 =	vld [tilespmem:$0x1FE40]  }
0x1ad: {  	v44 =	vld [tilespmem:$0x1FE50]  }
0x1ae: {  	v45 =	vld [tilespmem:$0x1FE60]  }
0x1af: {  	v46 =	vld [tilespmem:$0x1FE70]  }
0x1b0: {  	v12 =	vld [tilespmem:$0x1FE80]  }
0x1b1: {  	v13 =	vld [tilespmem:$0x1FE90]  }
0x1b2: {  	v14 =	vld [tilespmem:$0x1FEA0]  }
0x1b3: {  	v47 =	vld [tilespmem:$0x1FEB0]  }
0x1b4: {  	v48 =	vld [tilespmem:$0x1FEC0]  }
0x1b5: {  	v49 =	vld [tilespmem:$0x1FED0]  }
0x1b6: {  	v11 =	vld [tilespmem:$0x1FEE0]  }
0x1b7: {  	v50 =	vld [tilespmem:$0x1FEF0]  }
0x1b8: {  	v51 =	vld [tilespmem:$0x1FF00]  }
0x1b9: {  	v52 =	vld [tilespmem:$0x1FF10]  }
0x1ba: {  	v53 =	vld [tilespmem:$0x1FF20]  }
0x1bb: {  	v54 =	vld [tilespmem:$0x1FF30]  }
0x1bc: {  	v55 =	vld [tilespmem:$0x1FF40]  }
0x1bd: {  	v56 =	vld [tilespmem:$0x1FF50]  }
0x1be: {  	v10 =	vld [tilespmem:$0x1FF60]  }
0x1bf: {  	v58 =	vld [tilespmem:$0x1FF70]  }
0x1c0: {  	v59 =	vld [tilespmem:$0x1FF80]  }
0x1c1: {  	v61 =	vld [tilespmem:$0x1FF90]  }
0x1c2: {  	v5 =	vld [tilespmem:$0x1FFA0]  }
0x1c3: {  	v0 =	vld [tilespmem:$0x1FFB0]  }
0x1c4: {  	v1 =	vld [tilespmem:$0x1FFC0]  }
0x1c5: {  	v22 =	vld [tilespmem:$0x1FFD0]  }
0x1c6: {  	v25 =	vld [tilespmem:$0x1FC80]  }
0x1c7: {  	v27 =	vld [tilespmem:$0x1FC70]  }
0x1c8: {  	v28 =	vld [tilespmem:$0x1FCA0]  }
0x1c9: {  	v29 =	vld [tilespmem:$0x1FC90]  }
0x1ca: {  	v30 =	vld [tilespmem:$0x1FCB0]  }
0x1cb: {  	v32 =	vld [tilespmem:$0x1FCD0]  }
0x1cc: {  	v33 =	vld [tilespmem:$0x1FCC0]  }
0x1cd: {  	v34 =	vld [tilespmem:$0x1FCF0]  }
0x1ce: {  	v35 =	vld [tilespmem:$0x1FD00]  }
0x1cf: {  	v36 =	vld [tilespmem:$0x1FD10]  }
0x1d0: {  	v37 =	vld [tilespmem:$0x1FD20]  }
0x1d1: {  	v38 =	vld [tilespmem:$0x1FD90]  }
0x1d2: {  	s29 =	simm.s32 $0x0;
	s30 =	simm.s32 $0x3980;
	v24 =	vmov v23;
	v39 =	vld [tilespmem:$0x1FD80]  }
.LBB2_9:
0x1d3: {  	v6 =	vld [tilespmem:s30+$0x0];
	_ =	sdelay $0x4  }
0x1d4: {  	v6 =	vshll.u32 v6, $0x5  }
0x1d5: {  	v18 =	vor.u32 s29, v21;
	v7 =	vor.u32 v21, v6;
	v21 =	vld [tilespmem:$0x1FBF0]  }
0x1d6: {  	v8 =	vld [tilespmem:$0x1FBB0]  }
0x1d7: {  	v9 =	vld [tilespmem:$0x1FBC0]  }
0x1d8: {  	v15 =	vld [tilespmem:$0x1FBD0]  }
0x1d9: {  	v60 =	vld [tilespmem:$0x1FFF0]  }
0x1da: {  	v57 =	vor.u32 v21, v6;
	v21 =	vld [tilespmem:$0x1FDA0]  }
0x1db: {  	v16 =	vmov s29;
	v17 =	vld [tilespmem:$0x1FBE0]  }
0x1dc: {  	v16 =	vshll.u32 v16, $0x3;
	v8 =	vor.u32 v8, v6  }
0x1dd: {  	v18 =	vand.u32 $0x7F, v18;
	v16 =	vand.u32 $0xC00, v16;
	v9 =	vor.u32 v9, v6  }
0x1de: {  	v16 =	vor.u32 v16, v18;
	v15 =	vor.u32 v15, v6  }
0x1df: {  	v18 =	vor.u32 v60, v16;
	v60 =	vor.u32 v21, v16;
	v21 =	vld [tilespmem:$0x1FDB0]  }
0x1e0: {  	v17 =	vor.u32 v17, v6;
	v7 =	vld.idx.msk [tilespmem:v7+s3+$0x0], $0xffff  }
0x1e1: {  	v19 =	vor.u32 v1, v6;
	v8 =	vld.idx.msk [tilespmem:v8+s3+$0x0], $0xffff  }
0x1e2: {  	v20 =	vor.u32 v59, v6;
	v9 =	vld.idx.msk [tilespmem:v9+s3+$0x0], $0xffff  }
0x1e3: {  	v15 =	vld.idx.msk [tilespmem:v15+s3+$0x0], $0xffff  }
0x1e4: {  	v62 =	vor.u32 v21, v16;
	v21 =	vld [tilespmem:$0x1FDC0]  }
0x1e5: {  	v17 =	vld.idx.msk [tilespmem:v17+s3+$0x0], $0xffff  }
0x1e6: {  	v19 =	vld.idx.msk [tilespmem:v19+s3+$0x0], $0xffff  }
0x1e7: {  	v20 =	vld.idx.msk [tilespmem:v20+s3+$0x0], $0xffff  }
0x1e8: {  	v57 =	vld.idx.msk [tilespmem:v57+s3+$0x0], $0xffff  }
0x1e9: {  	v63 =	vor.u32 v21, v16;
	v21 =	vld [tilespmem:$0x1FDD0]  }
0x1ea: {  	[tilespmem:v18+s22+$0x0] =	vst.idx.msk $0xffff, v7;
	v7 =	vld [tilespmem:$0x1FDE0]  }
0x1eb: {  	[tilespmem:v60+s22+$0x0] =	vst.idx.msk $0xffff, v8;
	v8 =	vld [tilespmem:$0x1FDF0];
	_ =	sdelay $0x1  }
0x1ec: {  	[tilespmem:v62+s22+$0x0] =	vst.idx.msk $0xffff, v9;
	v9 =	vld [tilespmem:$0x1FE00]  }
0x1ed: {  	v21 =	vor.u32 v21, v16  }
0x1ee: {  	v7 =	vor.u32 v7, v16  }
0x1ef: {  	v8 =	vor.u32 v8, v16;
	_ =	sdelay $0x1  }
0x1f0: {  	v9 =	vor.u32 v9, v16;
	[tilespmem:v63+s22+$0x0] =	vst.idx.msk $0xffff, v15  }
0x1f1: {  	v15 =	vor.u32 v5, v6;
	[tilespmem:v21+s22+$0x0] =	vst.idx.msk $0xffff, v17  }
0x1f2: {  	v62 =	vor.u32 v10, v6;
	[tilespmem:v7+s22+$0x0] =	vst.idx.msk $0xffff, v19  }
0x1f3: {  	v63 =	vor.u32 v25, v6;
	[tilespmem:v8+s22+$0x0] =	vst.idx.msk $0xffff, v20;
	v20 =	vld [tilespmem:$0x1FC00]  }
0x1f4: {  	v7 =	vor.u32 v22, v6  }
0x1f5: {  	v19 =	vor.u32 v29, v6;
	[tilespmem:v9+s22+$0x0] =	vst.idx.msk $0xffff, v57  }
0x1f6: {  	v8 =	vor.u32 v24, v6;
	v15 =	vld.idx.msk [tilespmem:v15+s3+$0x0], $0xffff  }
0x1f7: {  	v9 =	vor.u32 v27, v6;
	v17 =	vld.idx.msk [tilespmem:v62+s3+$0x0], $0xffff  }
0x1f8: {  	v21 =	vor.u32 v40, v16;
	v18 =	vld.idx.msk [tilespmem:v63+s3+$0x0], $0xffff;
	v20 =	vor.u32 v20, v6  }
0x1f9: {  	v57 =	vor.u32 v41, v16;
	v7 =	vld.idx.msk [tilespmem:v7+s3+$0x0], $0xffff  }
0x1fa: {  	v60 =	vor.u32 v42, v16;
	v19 =	vld.idx.msk [tilespmem:v19+s3+$0x0], $0xffff  }
0x1fb: {  	v62 =	vor.u32 v43, v16;
	v8 =	vld.idx.msk [tilespmem:v8+s3+$0x0], $0xffff  }
0x1fc: {  	v63 =	vor.u32 v44, v16;
	v9 =	vld.idx.msk [tilespmem:v9+s3+$0x0], $0xffff  }
0x1fd: {  	v20 =	vld.idx.msk [tilespmem:v20+s3+$0x0], $0xffff;
	[tilespmem:v21+s22+$0x0] =	vst.idx.msk $0xffff, v15;
	v15 =	vor.u32 v45, v16  }
0x1fe: {  	[tilespmem:v57+s22+$0x0] =	vst.idx.msk $0xffff, v17;
	v57 =	vor.u32 v46, v16  }
0x1ff: {  	[tilespmem:v60+s22+$0x0] =	vst.idx.msk $0xffff, v7;
	v7 =	vor.u32 v12, v16  }
0x200: {  	[tilespmem:v62+s22+$0x0] =	vst.idx.msk $0xffff, v8  }
0x201: {  	[tilespmem:v63+s22+$0x0] =	vst.idx.msk $0xffff, v9  }
0x202: {  	v8 =	vor.u32 v28, v6;
	[tilespmem:v15+s22+$0x0] =	vst.idx.msk $0xffff, v18  }
0x203: {  	v62 =	vor.u32 v32, v6;
	[tilespmem:v57+s22+$0x0] =	vst.idx.msk $0xffff, v19  }
0x204: {  	v9 =	vor.u32 v30, v6;
	[tilespmem:v7+s22+$0x0] =	vst.idx.msk $0xffff, v20;
	v20 =	vld [tilespmem:$0x1FC10]  }
0x205: {  	v63 =	vor.u32 v35, v6  }
0x206: {  	v15 =	vor.u32 v33, v6  }
0x207: {  	v19 =	vor.u32 v36, v6;
	v8 =	vld.idx.msk [tilespmem:v8+s3+$0x0], $0xffff  }
0x208: {  	v7 =	vor.u32 v34, v6;
	v17 =	vld.idx.msk [tilespmem:v62+s3+$0x0], $0xffff  }
0x209: {  	v21 =	vor.u32 v13, v16;
	v9 =	vld.idx.msk [tilespmem:v9+s3+$0x0], $0xffff;
	v20 =	vor.u32 v20, v6  }
0x20a: {  	v57 =	vor.u32 v14, v16;
	v18 =	vld.idx.msk [tilespmem:v63+s3+$0x0], $0xffff  }
0x20b: {  	v60 =	vor.u32 v47, v16;
	v15 =	vld.idx.msk [tilespmem:v15+s3+$0x0], $0xffff  }
0x20c: {  	v62 =	vor.u32 v48, v16;
	v19 =	vld.idx.msk [tilespmem:v19+s3+$0x0], $0xffff  }
0x20d: {  	v63 =	vor.u32 v11, v16;
	v7 =	vld.idx.msk [tilespmem:v7+s3+$0x0], $0xffff  }
0x20e: {  	v20 =	vld.idx.msk [tilespmem:v20+s3+$0x0], $0xffff;
	[tilespmem:v21+s22+$0x0] =	vst.idx.msk $0xffff, v8;
	v8 =	vor.u32 v52, v16  }
0x20f: {  	[tilespmem:v57+s22+$0x0] =	vst.idx.msk $0xffff, v9;
	v9 =	vor.u32 v53, v16  }
0x210: {  	[tilespmem:v60+s22+$0x0] =	vst.idx.msk $0xffff, v15;
	v15 =	vor.u32 v56, v16  }
0x211: {  	[tilespmem:v62+s22+$0x0] =	vst.idx.msk $0xffff, v17  }
0x212: {  	v57 =	vld [tilespmem:$0x1FFE0];
	[tilespmem:v63+s22+$0x0] =	vst.idx.msk $0xffff, v7  }
0x213: {  	v17 =	vor.u32 v37, v6;
	[tilespmem:v8+s22+$0x0] =	vst.idx.msk $0xffff, v18  }
0x214: {  	v60 =	vor.u32 v3, v6;
	[tilespmem:v9+s22+$0x0] =	vst.idx.msk $0xffff, v19  }
0x215: {  	v62 =	vor.u32 v4, v6;
	[tilespmem:v15+s22+$0x0] =	vst.idx.msk $0xffff, v20;
	v20 =	vld [tilespmem:$0x1FC20]  }
0x216: {  	v7 =	vor.u32 v39, v6  }
0x217: {  	v8 =	vor.u32 v57, v6  }
0x218: {  	v9 =	vor.u32 v38, v6;
	v17 =	vld.idx.msk [tilespmem:v17+s3+$0x0], $0xffff  }
0x219: {  	v15 =	vor.u32 v2, v6;
	v18 =	vld.idx.msk [tilespmem:v60+s3+$0x0], $0xffff  }
0x21a: {  	v19 =	vld.idx.msk [tilespmem:v62+s3+$0x0], $0xffff;
	v6 =	vor.u32 v20, v6;
	v20 =	vor.u32 v58, v16  }
0x21b: {  	v21 =	vor.u32 v61, v16;
	v7 =	vld.idx.msk [tilespmem:v7+s3+$0x0], $0xffff  }
0x21c: {  	v57 =	vor.u32 v0, v16;
	v8 =	vld.idx.msk [tilespmem:v8+s3+$0x0], $0xffff  }
0x21d: {  	v60 =	vor.u32 v55, v16;
	v9 =	vld.idx.msk [tilespmem:v9+s3+$0x0], $0xffff  }
0x21e: {  	v62 =	vor.u32 v54, v16;
	v15 =	vld.idx.msk [tilespmem:v15+s3+$0x0], $0xffff  }
0x21f: {  	v63 =	vor.u32 v51, v16;
	v6 =	vld.idx.msk [tilespmem:v6+s3+$0x0], $0xffff;
	[tilespmem:v20+s22+$0x0] =	vst.idx.msk $0xffff, v17  }
0x220: {  	[tilespmem:v21+s22+$0x0] =	vst.idx.msk $0xffff, v7;
	v7 =	vor.u32 v50, v16  }
0x221: {  	p0 =	sne.s32 s29, $0x1F0;
	[tilespmem:v57+s22+$0x0] =	vst.idx.msk $0xffff, v8;
	v8 =	vor.u32 v49, v16  }
.Ltmp6:
0x222: {  	[tilespmem:v60+s22+$0x0] =	vst.idx.msk $0xffff, v9;
	(pc) =	sbr.rel @p0 .LBB2_9-.Ltmp6, $4  }
0x223: {  	[tilespmem:v62+s22+$0x0] =	vst.idx.msk $0xffff, v15  }
0x224: {  	[tilespmem:v63+s22+$0x0] =	vst.idx.msk $0xffff, v18  }
0x225: {  	[tilespmem:v7+s22+$0x0] =	vst.idx.msk $0xffff, v19  }
0x226: {  	s30 =	sadd.s32 $0x10, s30;
	s29 =	sadd.s32 $0x10, s29;
	v21 =	vlaneseq.u32;
	[tilespmem:v8+s22+$0x0] =	vst.idx.msk $0xffff, v6  }
0x227: {  	p0 =	seq.s32 s25, $0x18  }
.Ltmp7:
0x228: {  	_ = 	snop;
	(pc) =	sbr.rel @p0 .LBB2_12-.Ltmp7, $3  }
0x229: {  	_ =	sdelay $0x1  }
0x22a: {  	s28 =	sadd.s32 s28, s9  }
0x22b: {  	[hbm4b:s28+s18] =	stream.strided.scatter [tilespmem:s22], [sflag:$0x4], $0x4000, s19, s18, $0x38;
	[tilespmem:$0xBB80] =	vst v63  }
0x22c: {  	v16 =	vld [tilespmem:$0x1FDA0]  }
0x22d: {  	v17 =	vld [tilespmem:$0x1FDB0]  }
0x22e: {  	v18 =	vld [tilespmem:$0x1FDC0]  }
0x22f: {  	v53 =	vld [tilespmem:$0x1FDD0]  }
0x230: {  	v50 =	vld [tilespmem:$0x1FDE0]  }
0x231: {  	v12 =	vld [tilespmem:$0x1FDF0]  }
0x232: {  	v11 =	vld [tilespmem:$0x1FE00]  }
0x233: {  	v13 =	vld [tilespmem:$0x1FE10]  }
0x234: {  	v48 =	vld [tilespmem:$0x1FE20]  }
0x235: {  	v14 =	vld [tilespmem:$0x1FE30]  }
0x236: {  	v58 =	vld [tilespmem:$0x1FE40]  }
0x237: {  	v61 =	vld [tilespmem:$0x1FE50]  }
0x238: {  	v56 =	vld [tilespmem:$0x1FE60]  }
0x239: {  	v5 =	vld [tilespmem:$0x1FE70]  }
0x23a: {  	v0 =	vld [tilespmem:$0x1FE80]  }
0x23b: {  	v10 =	vld [tilespmem:$0x1FE90]  }
0x23c: {  	v6 =	vld [tilespmem:$0x1FEA0]  }
0x23d: {  	v7 =	vld [tilespmem:$0x1FEB0]  }
0x23e: {  	v1 =	vld [tilespmem:$0x1FEC0]  }
0x23f: {  	v57 =	vld [tilespmem:$0x1FED0]  }
0x240: {  	v2 =	vld [tilespmem:$0x1FEE0]  }
0x241: {  	v60 =	vld [tilespmem:$0x1FEF0]  }
0x242: {  	v34 =	vld [tilespmem:$0x1FF00]  }
0x243: {  	v3 =	vld [tilespmem:$0x1FF10]  }
0x244: {  	v4 =	vld [tilespmem:$0x1FF20]  }
0x245: {  	v54 =	vld [tilespmem:$0x1FF30]  }
0x246: {  	v59 =	vld [tilespmem:$0x1FF40]  }
0x247: {  	v8 =	vld [tilespmem:$0x1FF50]  }
0x248: {  	s26 =	sadd.s32 $0x3, s26;
	v39 =	vld [tilespmem:$0x1FF60]  }
0x249: {  	v38 =	vld [tilespmem:$0x1FF70];
	s28 =	sshll.u32 s26, $0x7;
	s26 =	sshll.u32 s26, $0xE  }
0x24a: {  	v40 =	vld [tilespmem:$0x1FF80];
	s28 =	sand.u32 $0x380, s28;
	s26 =	sand.u32 $0x1E0000, s26  }
.Ltmp8:
0x24b: {  	v62 =	vld [tilespmem:$0x1FF90];
	s26 =	sor.u32 s26, s28;
	(pc) =	sbr.rel .LBB2_2-.Ltmp8, $4  }
0x24c: {  	v41 =	vld [tilespmem:$0x1FFA0];
	s26 =	sor.u32 s4, s26  }
0x24d: {  	v42 =	vld [tilespmem:$0x1FFB0];
	s26 =	sshrl.u32 s26, $0x3  }
0x24e: {  	s25 =	sadd.s32 $0x1, s25;
	v43 =	vld [tilespmem:$0x1FFC0];
	s26 =	sadd.s32 s5, s26  }
0x24f: {  	v19 =	vmov v26;
	v15 =	vmov v31;
	v45 =	vld [tilespmem:$0x1FFD0];
	v20 =	vmov v23;
	[tilespmem:s15], [sflag:$0x2] =	stream.strided.gather [hbm4b:s26+s12], $0x200, s13, s12, $0x38  }
.LBB2_13:
0x250: {  	_ =	sfence.sel $0x180000  }
0x251: {  	[bflag:$0x0] =	sbarrier.arrive $0xFFFF  }
0x252: {  	p0 =	sne.s32 s2, $0x0;
	_ =	strace $0x90000047  }
0x253: {  	s0 =	sadd.s32 @!p0 $0x100000, s0;
	[bflag:$0x2] =	sbarrier.arrive $0xFFFF  }
0x254: {  	[sflag:s0] =	ssyncadd.tile.s32 @!p0 $0x1;
	_ =	shalt  }
.Lfunc_end2:
_tile_overlayer_lowered:
.L_overlay_start_2:
0x255: {  	(tag) =	ssettag $0x2  }
0x256: {  	s0 =	rddreg [dreg:$0x0];
	s2 =	stileid.u32  }
0x257: {  	s1 =	rddreg [dreg:$0x1];
	p0 =	sne.s32 s2, $0x0  }
0x258: {  	s3 =	rddreg [dreg:$0x2];
	[bflag:$0x3] =	sbarrier.arrive $0xFFFF;
	s2 =	simm.s32 @!p0 $0x1C05  }
0x259: {  	[timem:s3], [sflag:s2] =	dma.local @!p0 [hbm:s0], s1  }
0x25a: {  	s0 =	simm.s32 @!p0 $0x5  }
0x25b: {  	_ =	swait.ge @!p0 [sflag:s0], s1  }
0x25c: {  	s1 =	ssub.s32 @!p0 $0x0, s1;
	[sflag:s0] =	ssyncset.done @!p0 $0x0  }
0x25d: {  	[sflag:s0] =	ssyncadd.s32 @!p0 s1  }
0x25e: {  	[bflag:$0x3] =	sbarrier.arrive $0xFFFF  }
0x25f: {  	_ =	shalt  }

</sc_bundles>
